<compile_context>
chip_gen: v7x
topology: tpu7x:2x2x1
jax: 0.10.2.dev20260603
libtpu: 0.0.44.dev20260713+nightly
codegen_flags: <defaults>
</compile_context>

<pallas_src>
import functools

import jax
import jax.numpy as jnp
from jax import lax
from jax.experimental import pallas as pl
from jax.experimental.pallas import tpu as pltpu
from jax.experimental.pallas import tpu_sc as plsc

N = 10000
E = 320000
D = 128
NC, NS = 2, 16
NW = NC * NS
NPAD = 10240
RPT = NPAD // NS
CH = 128
EPW = 10240
K = EPW // CH
EPAD = NW * EPW
DW = 16
BLK = 320
GRID = NPAD // BLK

_mesh = plsc.VectorSubcoreMesh(core_axis_name="c", subcore_axis_name="s")


@functools.partial(
    pl.kernel,
    out_type=jax.ShapeDtypeStruct((NC * NPAD, D), jnp.float32),
    mesh=_mesh,
    scratch_types=[
        pltpu.VMEM((K, CH), jnp.int32),
        pltpu.VMEM((CH, D), jnp.float32),
        pltpu.VMEM_SHARED((NPAD, D), jnp.float32),
    ],
)
def _sc_degree(dst_hbm, ones_hbm, zeros_hbm, out_hbm, didx, ones_v, acc):
    cid = lax.axis_index("c")
    sid = lax.axis_index("s")
    wid = cid * NS + sid
    r0 = sid * RPT
    for z in range(RPT // CH):
        pltpu.sync_copy(zeros_hbm, acc.at[pl.ds(r0 + z * CH, CH)])
    pltpu.sync_copy(dst_hbm.at[wid], didx)
    pltpu.sync_copy(ones_hbm, ones_v)
    plsc.subcore_barrier()

    def body(j, c):
        pltpu.sync_copy(ones_v, acc.at[didx.at[j]], add=True)
        return c

    lax.fori_loop(0, K, body, 0)
    plsc.subcore_barrier()
    pltpu.sync_copy(acc.at[pl.ds(r0, RPT)], out_hbm.at[pl.ds(cid * NPAD + r0, RPT)])


K0 = 127
K1 = 33
KMAX = 127


@functools.partial(
    pl.kernel,
    out_type=jax.ShapeDtypeStruct((NC * NPAD, D), jnp.float32),
    mesh=_mesh,
    scratch_types=[
        pltpu.VMEM((KMAX, CH), jnp.int32),
        pltpu.VMEM((KMAX, CH), jnp.int32),
        pltpu.VMEM((CH, D), jnp.float32),
        pltpu.VMEM_SHARED((NPAD, D), jnp.float32),
        pltpu.SemaphoreType.DMA,
    ],
)
def _sc_aggregate(hs_hbm, src_hbm, dst_hbm, zeros_hbm, out_hbm,
                  sidx, didx, rows, acc, sem):
    cid = lax.axis_index("c")
    sid = lax.axis_index("s")
    wid = cid * NS + sid
    r0 = sid * RPT
    for z in range(RPT // CH):
        pltpu.sync_copy(zeros_hbm, acc.at[pl.ds(r0 + z * CH, CH)])
    pltpu.sync_copy(src_hbm.at[wid], sidx)
    pltpu.sync_copy(dst_hbm.at[wid], didx)
    plsc.subcore_barrier()

    def body(j, c):
        pltpu.async_copy(hs_hbm.at[sidx.at[j]], rows, sem).wait()
        pltpu.sync_copy(rows, acc.at[didx.at[j]], add=True)
        return c

    kc = jnp.where(cid == 0, K0, K1)
    lax.fori_loop(0, kc, body, 0)
    plsc.subcore_barrier()
    pltpu.sync_copy(acc.at[pl.ds(r0, RPT)], out_hbm.at[pl.ds(cid * NPAD + r0, RPT)])


def _dinv_of(degp_ref):
    dp = degp_ref[...]
    deg = dp[:, 0:1] + dp[:, 1:2] + 1.0
    return lax.rsqrt(deg)


def _tc1_body(x_ref, degp_ref, w_ref, o_ref):
    dinv = _dinv_of(degp_ref)
    h = jnp.dot(x_ref[...], w_ref[...], preferred_element_type=jnp.float32)
    o_ref[...] = h * dinv


def _tc_mid_body(agg_ref, hs_ref, degp_ref, b_ref, w_ref, o_ref):
    dinv = _dinv_of(degp_ref)
    a = agg_ref[...]
    t = jnp.maximum((a[0] + a[1] + hs_ref[...]) * dinv + b_ref[...], 0.0)
    h = jnp.dot(t, w_ref[...], preferred_element_type=jnp.float32)
    o_ref[...] = h * dinv


def _tc_out_body(agg_ref, hs_ref, degp_ref, b_ref, wt_ref, bout_ref, o_ref):
    dinv = _dinv_of(degp_ref)
    a = agg_ref[...]
    u = jnp.maximum((a[0] + a[1] + hs_ref[...]) * dinv + b_ref[...], 0.0)
    r = jnp.sum(u * wt_ref[...], axis=1, keepdims=True) + bout_ref[...]
    o_ref[...] = jnp.broadcast_to(r, (BLK, D))


_tc1 = pl.pallas_call(
    _tc1_body,
    grid=(GRID,),
    in_specs=[
        pl.BlockSpec((BLK, D), lambda i: (i, 0)),
        pl.BlockSpec((BLK, 2), lambda i: (i, 0)),
        pl.BlockSpec((D, D), lambda i: (0, 0)),
    ],
    out_specs=pl.BlockSpec((BLK, D), lambda i: (i, 0)),
    out_shape=jax.ShapeDtypeStruct((NPAD, D), jnp.float32),
)

_tc_mid = pl.pallas_call(
    _tc_mid_body,
    grid=(GRID,),
    in_specs=[
        pl.BlockSpec((2, BLK, D), lambda i: (0, i, 0)),
        pl.BlockSpec((BLK, D), lambda i: (i, 0)),
        pl.BlockSpec((BLK, 2), lambda i: (i, 0)),
        pl.BlockSpec((1, D), lambda i: (0, 0)),
        pl.BlockSpec((D, D), lambda i: (0, 0)),
    ],
    out_specs=pl.BlockSpec((BLK, D), lambda i: (i, 0)),
    out_shape=jax.ShapeDtypeStruct((NPAD, D), jnp.float32),
)

_tc_out = pl.pallas_call(
    _tc_out_body,
    grid=(GRID,),
    in_specs=[
        pl.BlockSpec((2, BLK, D), lambda i: (0, i, 0)),
        pl.BlockSpec((BLK, D), lambda i: (i, 0)),
        pl.BlockSpec((BLK, 2), lambda i: (i, 0)),
        pl.BlockSpec((1, D), lambda i: (0, 0)),
        pl.BlockSpec((1, D), lambda i: (0, 0)),
        pl.BlockSpec((1, 1), lambda i: (0, 0)),
    ],
    out_specs=pl.BlockSpec((BLK, D), lambda i: (i, 0)),
    out_shape=jax.ShapeDtypeStruct((NPAD, D), jnp.float32),
)


def kernel(x, edge_index, W1, b1, W2, b2, Wout, bout):
    si = edge_index[0].astype(jnp.int32)
    di = edge_index[1].astype(jnp.int32)
    fill = jnp.full((EPAD - E,), N, jnp.int32)

    def _asym(e):
        e0 = K0 * NS * CH
        p0 = e[:e0].reshape(NS, K0, CH)
        p1 = e[e0:].reshape(NS, K1, CH)

        def _padk(p, k):
            if k == KMAX:
                return p
            return jnp.concatenate(
                [p, jnp.full((NS, KMAX - k, CH), N, jnp.int32)], axis=1)

        return jnp.concatenate([_padk(p0, K0), _padk(p1, K1)], axis=0)

    src_all = jnp.concatenate([si, fill])
    dst_all = jnp.concatenate([di, fill])
    srcA = _asym(src_all)
    dstA = _asym(dst_all)
    dst3 = dst_all.reshape(NW, K, CH)
    zer_a = jnp.zeros((CH, D), jnp.float32)
    ones_a = jnp.ones((CH, D), jnp.float32)

    degw = _sc_degree(dst3, ones_a, zer_a)
    degp = degw[:, 0].reshape(NC, NPAD).T

    xp = jnp.pad(x, ((0, NPAD - N), (0, 0)))
    hs1 = _tc1(xp, degp, W1)
    agg1 = _sc_aggregate(hs1, srcA, dstA, zer_a).reshape(NC, NPAD, D)
    hs2 = _tc_mid(agg1, hs1, degp, b1.reshape(1, D), W2)
    agg2 = _sc_aggregate(hs2, srcA, dstA, zer_a).reshape(NC, NPAD, D)
    ob = _tc_out(agg2, hs2, degp, b2.reshape(1, D),
                 Wout.reshape(1, D), bout.reshape(1, 1))
    return ob[:N, 0]

# --- scband reference (transcript-rebuilt; emitter-appended) ---
"""Pipeline reference for scband-gcnregression-13597866459795 (READ-ONLY COPY).

The authoritative reference and input builder live on the scoring server;
editing this copy changes nothing except your own understanding.
"""

import jax, jax.numpy as jnp
import numpy as np

N_NODES = 10000
N_EDGES = 320000
IN_DIM = 128
HIDDEN = 128


def setup_inputs(seed: int = 0) -> dict:
    key = jax.random.key(seed)
    ks = jax.random.split(key, 8)
    x = jax.random.normal(ks[0], (N_NODES, IN_DIM), dtype=jnp.float32)
    edge_index = jax.random.randint(ks[1], (2, N_EDGES), 0, N_NODES, dtype=jnp.int64)
    s1 = 1.0 / np.sqrt(IN_DIM)
    s2 = 1.0 / np.sqrt(HIDDEN)
    W1 = jax.random.uniform(ks[2], (IN_DIM, HIDDEN), jnp.float32, -s1, s1)
    b1 = jnp.zeros((HIDDEN,), jnp.float32)
    W2 = jax.random.uniform(ks[3], (HIDDEN, HIDDEN), jnp.float32, -s2, s2)
    b2 = jnp.zeros((HIDDEN,), jnp.float32)
    Wout = jax.random.uniform(ks[4], (HIDDEN, 1), jnp.float32, -s2, s2)
    bout = jnp.zeros((1,), jnp.float32)
    return {"x": x, "edge_index": edge_index, "W1": W1, "b1": b1,
            "W2": W2, "b2": b2, "Wout": Wout, "bout": bout}


def _gcn_conv(x, src, dst, norm, W, b):
    # PyG GCNConv: out = D^{-1/2} (A+I) D^{-1/2} (x W) + b
    h = x @ W
    msg = h[src] * norm[:, None]
    out = jnp.zeros((x.shape[0], W.shape[1]), dtype=h.dtype).at[dst].add(msg)
    return out + b


def reference(x, edge_index, W1, b1, W2, b2, Wout, bout):
    N = x.shape[0]
    loop = jnp.arange(N, dtype=edge_index.dtype)
    src = jnp.concatenate([edge_index[0], loop])
    dst = jnp.concatenate([edge_index[1], loop])
    deg = jnp.zeros((N,), jnp.float32).at[dst].add(1.0)
    dinv = jax.lax.rsqrt(deg)  # deg >= 1 because of self-loops
    norm = dinv[src] * dinv[dst]
    # layer 1 + relu (dropout is identity at inference)
    h = _gcn_conv(x, src, dst, norm, W1, b1)
    h = jax.nn.relu(h)
    # layer 2 + relu
    h = _gcn_conv(h, src, dst, norm, W2, b2)
    h = jax.nn.relu(h)
    # mlp_layers=1 -> empty Sequential; final output linear
    out = h @ Wout + bout
    return out.squeeze(-1)

if __name__ == "__main__":
    import jax
    _d = setup_inputs()
    print(jax.jit(kernel)(*tuple(_d.values())))

</pallas_src>

<mosaic_0001>
#map = affine_map<(d0, d1) -> (0, 0)>
#map1 = affine_map<(d0, d1) -> (0, 0, 0)>
module attributes {stable_mosaic.version = 14 : i64} {
  func.func @_sc_aggregate(%arg0: i32, %arg1: i32, %arg2: memref<10240x128xf32, #tpu.memory_space<hbm>>, %arg3: memref<32x127x128xi32, #tpu.memory_space<hbm>>, %arg4: memref<32x127x128xi32, #tpu.memory_space<hbm>>, %arg5: memref<128x128xf32, #tpu.memory_space<hbm>>, %arg6: memref<20480x128xf32, #tpu.memory_space<hbm>>, %arg7: memref<127x128xi32, #tpu.memory_space<vmem>>, %arg8: memref<127x128xi32, #tpu.memory_space<vmem>>, %arg9: memref<128x128xf32, #tpu.memory_space<vmem>>, %arg10: memref<10240x128xf32, #tpu.memory_space<vmem_shared>>, %arg11: memref<!tpu.dma_semaphore, #tpu.memory_space<semaphore_mem>>) attributes {dimension_semantics = [#tpu.dimension_semantics<core_parallel>, #tpu.dimension_semantics<subcore_parallel>], iteration_bounds = array<i64: 2, 16>, scalar_prefetch = 0 : i64, scratch_operands = 5 : i64, tpu.core_type = #tpu.core_type<sc_vector_subcore>, window_params = [{transform_indices = #map}, {transform_indices = #map1}, {transform_indices = #map1}, {transform_indices = #map}, {transform_indices = #map}]} {
    %mul3A = arith.constant 16 : i32
    %mul3A_0 = arith.muli %arg0, %mul3A : i32
    %add3A = arith.addi %mul3A_0, %arg1 : i32
    %mul3A_1 = arith.constant 640 : i32
    %mul3A_2 = arith.muli %arg1, %mul3A_1 : i32
    %add3A_3 = arith.constant 0 : i32
    %add3A_4 = arith.addi %mul3A_2, %add3A_3 : i32
    "tpu.region"() ({
      %run_scoped3A = tpu.sem_alloc : memref<!tpu.dma_semaphore, #tpu.memory_space<semaphore_mem>>
      %dma_start3A = arith.constant 0 : i32
      %dma_start3A_28 = tpu.memref_slice %arg10[%add3A_4, %dma_start3A] : memref<10240x128xf32, #tpu.memory_space<vmem_shared>> -> memref<128x128xf32, #tpu.memory_space<vmem_shared>>
      tpu.enqueue_dma source(%arg5 : memref<128x128xf32, #tpu.memory_space<hbm>>) target(%dma_start3A_28 : memref<128x128xf32, #tpu.memory_space<vmem_shared>>) target_semaphore(%run_scoped3A : memref<!tpu.dma_semaphore, #tpu.memory_space<semaphore_mem>>)
      %dma_wait3A = arith.constant 0 : i32
      %dma_wait3A_29 = tpu.memref_slice %arg10[%add3A_4, %dma_wait3A] : memref<10240x128xf32, #tpu.memory_space<vmem_shared>> -> memref<128x128xf32, #tpu.memory_space<vmem_shared>>
      tpu.wait_dma2 semaphore(%run_scoped3A : memref<!tpu.dma_semaphore, #tpu.memory_space<semaphore_mem>>) src(%arg5 : memref<128x128xf32, #tpu.memory_space<hbm>>) dst(%dma_wait3A_29 : memref<128x128xf32, #tpu.memory_space<vmem_shared>>)
      tpu.yield
    }) : () -> ()
    %add3A_5 = arith.constant 128 : i32
    %add3A_6 = arith.addi %mul3A_2, %add3A_5 : i32
    "tpu.region"() ({
      %run_scoped3A = tpu.sem_alloc : memref<!tpu.dma_semaphore, #tpu.memory_space<semaphore_mem>>
      %dma_start3A = arith.constant 0 : i32
      %dma_start3A_28 = tpu.memref_slice %arg10[%add3A_6, %dma_start3A] : memref<10240x128xf32, #tpu.memory_space<vmem_shared>> -> memref<128x128xf32, #tpu.memory_space<vmem_shared>>
      tpu.enqueue_dma source(%arg5 : memref<128x128xf32, #tpu.memory_space<hbm>>) target(%dma_start3A_28 : memref<128x128xf32, #tpu.memory_space<vmem_shared>>) target_semaphore(%run_scoped3A : memref<!tpu.dma_semaphore, #tpu.memory_space<semaphore_mem>>)
      %dma_wait3A = arith.constant 0 : i32
      %dma_wait3A_29 = tpu.memref_slice %arg10[%add3A_6, %dma_wait3A] : memref<10240x128xf32, #tpu.memory_space<vmem_shared>> -> memref<128x128xf32, #tpu.memory_space<vmem_shared>>
      tpu.wait_dma2 semaphore(%run_scoped3A : memref<!tpu.dma_semaphore, #tpu.memory_space<semaphore_mem>>) src(%arg5 : memref<128x128xf32, #tpu.memory_space<hbm>>) dst(%dma_wait3A_29 : memref<128x128xf32, #tpu.memory_space<vmem_shared>>)
      tpu.yield
    }) : () -> ()
    %add3A_7 = arith.constant 256 : i32
    %add3A_8 = arith.addi %mul3A_2, %add3A_7 : i32
    "tpu.region"() ({
      %run_scoped3A = tpu.sem_alloc : memref<!tpu.dma_semaphore, #tpu.memory_space<semaphore_mem>>
      %dma_start3A = arith.constant 0 : i32
      %dma_start3A_28 = tpu.memref_slice %arg10[%add3A_8, %dma_start3A] : memref<10240x128xf32, #tpu.memory_space<vmem_shared>> -> memref<128x128xf32, #tpu.memory_space<vmem_shared>>
      tpu.enqueue_dma source(%arg5 : memref<128x128xf32, #tpu.memory_space<hbm>>) target(%dma_start3A_28 : memref<128x128xf32, #tpu.memory_space<vmem_shared>>) target_semaphore(%run_scoped3A : memref<!tpu.dma_semaphore, #tpu.memory_space<semaphore_mem>>)
      %dma_wait3A = arith.constant 0 : i32
      %dma_wait3A_29 = tpu.memref_slice %arg10[%add3A_8, %dma_wait3A] : memref<10240x128xf32, #tpu.memory_space<vmem_shared>> -> memref<128x128xf32, #tpu.memory_space<vmem_shared>>
      tpu.wait_dma2 semaphore(%run_scoped3A : memref<!tpu.dma_semaphore, #tpu.memory_space<semaphore_mem>>) src(%arg5 : memref<128x128xf32, #tpu.memory_space<hbm>>) dst(%dma_wait3A_29 : memref<128x128xf32, #tpu.memory_space<vmem_shared>>)
      tpu.yield
    }) : () -> ()
    %add3A_9 = arith.constant 384 : i32
    %add3A_10 = arith.addi %mul3A_2, %add3A_9 : i32
    "tpu.region"() ({
      %run_scoped3A = tpu.sem_alloc : memref<!tpu.dma_semaphore, #tpu.memory_space<semaphore_mem>>
      %dma_start3A = arith.constant 0 : i32
      %dma_start3A_28 = tpu.memref_slice %arg10[%add3A_10, %dma_start3A] : memref<10240x128xf32, #tpu.memory_space<vmem_shared>> -> memref<128x128xf32, #tpu.memory_space<vmem_shared>>
      tpu.enqueue_dma source(%arg5 : memref<128x128xf32, #tpu.memory_space<hbm>>) target(%dma_start3A_28 : memref<128x128xf32, #tpu.memory_space<vmem_shared>>) target_semaphore(%run_scoped3A : memref<!tpu.dma_semaphore, #tpu.memory_space<semaphore_mem>>)
      %dma_wait3A = arith.constant 0 : i32
      %dma_wait3A_29 = tpu.memref_slice %arg10[%add3A_10, %dma_wait3A] : memref<10240x128xf32, #tpu.memory_space<vmem_shared>> -> memref<128x128xf32, #tpu.memory_space<vmem_shared>>
      tpu.wait_dma2 semaphore(%run_scoped3A : memref<!tpu.dma_semaphore, #tpu.memory_space<semaphore_mem>>) src(%arg5 : memref<128x128xf32, #tpu.memory_space<hbm>>) dst(%dma_wait3A_29 : memref<128x128xf32, #tpu.memory_space<vmem_shared>>)
      tpu.yield
    }) : () -> ()
    %add3A_11 = arith.constant 512 : i32
    %add3A_12 = arith.addi %mul3A_2, %add3A_11 : i32
    "tpu.region"() ({
      %run_scoped3A = tpu.sem_alloc : memref<!tpu.dma_semaphore, #tpu.memory_space<semaphore_mem>>
      %dma_start3A = arith.constant 0 : i32
      %dma_start3A_28 = tpu.memref_slice %arg10[%add3A_12, %dma_start3A] : memref<10240x128xf32, #tpu.memory_space<vmem_shared>> -> memref<128x128xf32, #tpu.memory_space<vmem_shared>>
      tpu.enqueue_dma source(%arg5 : memref<128x128xf32, #tpu.memory_space<hbm>>) target(%dma_start3A_28 : memref<128x128xf32, #tpu.memory_space<vmem_shared>>) target_semaphore(%run_scoped3A : memref<!tpu.dma_semaphore, #tpu.memory_space<semaphore_mem>>)
      %dma_wait3A = arith.constant 0 : i32
      %dma_wait3A_29 = tpu.memref_slice %arg10[%add3A_12, %dma_wait3A] : memref<10240x128xf32, #tpu.memory_space<vmem_shared>> -> memref<128x128xf32, #tpu.memory_space<vmem_shared>>
      tpu.wait_dma2 semaphore(%run_scoped3A : memref<!tpu.dma_semaphore, #tpu.memory_space<semaphore_mem>>) src(%arg5 : memref<128x128xf32, #tpu.memory_space<hbm>>) dst(%dma_wait3A_29 : memref<128x128xf32, #tpu.memory_space<vmem_shared>>)
      tpu.yield
    }) : () -> ()
    "tpu.region"() ({
      %run_scoped3A = tpu.sem_alloc : memref<!tpu.dma_semaphore, #tpu.memory_space<semaphore_mem>>
      %dma_start3A = arith.constant 0 : i32
      %dma_start3A_28 = arith.constant 0 : i32
      %dma_start3A_29 = tpu.memref_slice %arg3[%add3A, %dma_start3A, %dma_start3A_28] : memref<32x127x128xi32, #tpu.memory_space<hbm>> -> memref<1x127x128xi32, #tpu.memory_space<hbm>>
      %dma_start3A_30 = tpu.memref_squeeze %dma_start3A_29 : memref<1x127x128xi32, #tpu.memory_space<hbm>> -> memref<127x128xi32, #tpu.memory_space<hbm>>
      %dma_start3A_31 = arith.constant 0 : i32
      %dma_start3A_32 = arith.constant 0 : i32
      %dma_start3A_33 = tpu.memref_slice %arg3[%add3A, %dma_start3A_31, %dma_start3A_32] : memref<32x127x128xi32, #tpu.memory_space<hbm>> -> memref<1x127x128xi32, #tpu.memory_space<hbm>>
      %dma_start3A_34 = tpu.memref_squeeze %dma_start3A_33 : memref<1x127x128xi32, #tpu.memory_space<hbm>> -> memref<127x128xi32, #tpu.memory_space<hbm>>
      tpu.enqueue_dma source(%dma_start3A_34 : memref<127x128xi32, #tpu.memory_space<hbm>>) target(%arg7 : memref<127x128xi32, #tpu.memory_space<vmem>>) target_semaphore(%run_scoped3A : memref<!tpu.dma_semaphore, #tpu.memory_space<semaphore_mem>>)
      %dma_wait3A = arith.constant 0 : i32
      %dma_wait3A_35 = arith.constant 0 : i32
      %dma_wait3A_36 = tpu.memref_slice %arg3[%add3A, %dma_wait3A, %dma_wait3A_35] : memref<32x127x128xi32, #tpu.memory_space<hbm>> -> memref<1x127x128xi32, #tpu.memory_space<hbm>>
      %dma_wait3A_37 = tpu.memref_squeeze %dma_wait3A_36 : memref<1x127x128xi32, #tpu.memory_space<hbm>> -> memref<127x128xi32, #tpu.memory_space<hbm>>
      %dma_wait3A_38 = arith.constant 0 : i32
      %dma_wait3A_39 = arith.constant 0 : i32
      %dma_wait3A_40 = tpu.memref_slice %arg3[%add3A, %dma_wait3A_38, %dma_wait3A_39] : memref<32x127x128xi32, #tpu.memory_space<hbm>> -> memref<1x127x128xi32, #tpu.memory_space<hbm>>
      %dma_wait3A_41 = tpu.memref_squeeze %dma_wait3A_40 : memref<1x127x128xi32, #tpu.memory_space<hbm>> -> memref<127x128xi32, #tpu.memory_space<hbm>>
      tpu.wait_dma2 semaphore(%run_scoped3A : memref<!tpu.dma_semaphore, #tpu.memory_space<semaphore_mem>>) src(%dma_wait3A_41 : memref<127x128xi32, #tpu.memory_space<hbm>>) dst(%arg7 : memref<127x128xi32, #tpu.memory_space<vmem>>)
      tpu.yield
    }) : () -> ()
    "tpu.region"() ({
      %run_scoped3A = tpu.sem_alloc : memref<!tpu.dma_semaphore, #tpu.memory_space<semaphore_mem>>
      %dma_start3A = arith.constant 0 : i32
      %dma_start3A_28 = arith.constant 0 : i32
      %dma_start3A_29 = tpu.memref_slice %arg4[%add3A, %dma_start3A, %dma_start3A_28] : memref<32x127x128xi32, #tpu.memory_space<hbm>> -> memref<1x127x128xi32, #tpu.memory_space<hbm>>
      %dma_start3A_30 = tpu.memref_squeeze %dma_start3A_29 : memref<1x127x128xi32, #tpu.memory_space<hbm>> -> memref<127x128xi32, #tpu.memory_space<hbm>>
      %dma_start3A_31 = arith.constant 0 : i32
      %dma_start3A_32 = arith.constant 0 : i32
      %dma_start3A_33 = tpu.memref_slice %arg4[%add3A, %dma_start3A_31, %dma_start3A_32] : memref<32x127x128xi32, #tpu.memory_space<hbm>> -> memref<1x127x128xi32, #tpu.memory_space<hbm>>
      %dma_start3A_34 = tpu.memref_squeeze %dma_start3A_33 : memref<1x127x128xi32, #tpu.memory_space<hbm>> -> memref<127x128xi32, #tpu.memory_space<hbm>>
      tpu.enqueue_dma source(%dma_start3A_34 : memref<127x128xi32, #tpu.memory_space<hbm>>) target(%arg8 : memref<127x128xi32, #tpu.memory_space<vmem>>) target_semaphore(%run_scoped3A : memref<!tpu.dma_semaphore, #tpu.memory_space<semaphore_mem>>)
      %dma_wait3A = arith.constant 0 : i32
      %dma_wait3A_35 = arith.constant 0 : i32
      %dma_wait3A_36 = tpu.memref_slice %arg4[%add3A, %dma_wait3A, %dma_wait3A_35] : memref<32x127x128xi32, #tpu.memory_space<hbm>> -> memref<1x127x128xi32, #tpu.memory_space<hbm>>
      %dma_wait3A_37 = tpu.memref_squeeze %dma_wait3A_36 : memref<1x127x128xi32, #tpu.memory_space<hbm>> -> memref<127x128xi32, #tpu.memory_space<hbm>>
      %dma_wait3A_38 = arith.constant 0 : i32
      %dma_wait3A_39 = arith.constant 0 : i32
      %dma_wait3A_40 = tpu.memref_slice %arg4[%add3A, %dma_wait3A_38, %dma_wait3A_39] : memref<32x127x128xi32, #tpu.memory_space<hbm>> -> memref<1x127x128xi32, #tpu.memory_space<hbm>>
      %dma_wait3A_41 = tpu.memref_squeeze %dma_wait3A_40 : memref<1x127x128xi32, #tpu.memory_space<hbm>> -> memref<127x128xi32, #tpu.memory_space<hbm>>
      tpu.wait_dma2 semaphore(%run_scoped3A : memref<!tpu.dma_semaphore, #tpu.memory_space<semaphore_mem>>) src(%dma_wait3A_41 : memref<127x128xi32, #tpu.memory_space<hbm>>) dst(%arg8 : memref<127x128xi32, #tpu.memory_space<vmem>>)
      tpu.yield
    }) : () -> ()
    %barrier3A = arith.constant 0 : index
    tpu.barrier barrier_id(%barrier3A)
    %eq3A = arith.constant 0 : i32
    %eq3A_13 = arith.cmpi eq, %arg0, %eq3A : i32
    %jit3A = arith.constant 127 : i32
    %jit3A_14 = arith.constant 33 : i32
    %select_n3A = arith.select %eq3A_13, %jit3A, %jit3A_14 : i32
    %while3A = arith.constant 0 : i32
    %while3A_15 = arith.constant 0 : i32
    %while3A_16 = arith.subi %select_n3A, %while3A_15 : i32
    %while3A_17 = arith.addi %while3A_15, %while3A_16 : i32
    %while3A_18 = arith.constant 1 : i32
    %while3A_19 = arith.divsi %while3A_16, %while3A_18 : i32
    %while3A_20 = arith.muli %while3A_19, %while3A_18 : i32
    %while3A_21 = arith.addi %while3A_15, %while3A_20 : i32
    %while3A_22 = arith.constant 1 : i32
    scf.for %while3A_28 = %while3A_15 to %while3A_21 step %while3A_22  : i32 {
      %dma_start3A = arith.constant 0 : i32
      %dma_start3A_29 = tpu.memref_slice %arg7[%while3A_28, %dma_start3A] : memref<127x128xi32, #tpu.memory_space<vmem>> -> memref<1x128xi32, #tpu.memory_space<vmem>>
      %dma_start3A_30 = tpu.memref_squeeze %dma_start3A_29 : memref<1x128xi32, #tpu.memory_space<vmem>> -> memref<128xi32, #tpu.memory_space<vmem>>
      %dma_start3A_31 = arith.constant 0 : i32
      %dma_start3A_32 = arith.constant 0 : i32
      %dma_start3A_33 = tpu.memref_slice %arg2[%dma_start3A_31, %dma_start3A_32] : memref<10240x128xf32, #tpu.memory_space<hbm>> -> memref<10240x128xf32, #tpu.memory_space<hbm>>
      tpu.enqueue_indirect_dma source(%dma_start3A_33 : memref<10240x128xf32, #tpu.memory_space<hbm>>) target(%arg9 : memref<128x128xf32, #tpu.memory_space<vmem>>) offsets(%dma_start3A_30 : memref<128xi32, #tpu.memory_space<vmem>>) semaphore(%arg11 : memref<!tpu.dma_semaphore, #tpu.memory_space<semaphore_mem>>)
      %dma_wait3A = arith.constant 0 : i32
      %dma_wait3A_34 = tpu.memref_slice %arg7[%while3A_28, %dma_wait3A] : memref<127x128xi32, #tpu.memory_space<vmem>> -> memref<1x128xi32, #tpu.memory_space<vmem>>
      %dma_wait3A_35 = tpu.memref_squeeze %dma_wait3A_34 : memref<1x128xi32, #tpu.memory_space<vmem>> -> memref<128xi32, #tpu.memory_space<vmem>>
      %dma_wait3A_36 = arith.constant 0 : i32
      %dma_wait3A_37 = arith.constant 0 : i32
      %dma_wait3A_38 = tpu.memref_slice %arg2[%dma_wait3A_36, %dma_wait3A_37] : memref<10240x128xf32, #tpu.memory_space<hbm>> -> memref<10240x128xf32, #tpu.memory_space<hbm>>
      tpu.wait_indirect_dma semaphore(%arg11 : memref<!tpu.dma_semaphore, #tpu.memory_space<semaphore_mem>>) src(%dma_wait3A_38 : memref<10240x128xf32, #tpu.memory_space<hbm>>) dst(%arg9 : memref<128x128xf32, #tpu.memory_space<vmem>>)
      "tpu.region"() ({
        %run_scoped3A = tpu.sem_alloc : memref<!tpu.dma_semaphore, #tpu.memory_space<semaphore_mem>>
        %dma_start3A_39 = arith.constant 0 : i32
        %dma_start3A_40 = tpu.memref_slice %arg8[%while3A_28, %dma_start3A_39] : memref<127x128xi32, #tpu.memory_space<vmem>> -> memref<1x128xi32, #tpu.memory_space<vmem>>
        %dma_start3A_41 = tpu.memref_squeeze %dma_start3A_40 : memref<1x128xi32, #tpu.memory_space<vmem>> -> memref<128xi32, #tpu.memory_space<vmem>>
        %dma_start3A_42 = arith.constant 0 : i32
        %dma_start3A_43 = arith.constant 0 : i32
        %dma_start3A_44 = tpu.memref_slice %arg10[%dma_start3A_42, %dma_start3A_43] : memref<10240x128xf32, #tpu.memory_space<vmem_shared>> -> memref<10240x128xf32, #tpu.memory_space<vmem_shared>>
        tpu.enqueue_indirect_dma source(%arg9 : memref<128x128xf32, #tpu.memory_space<vmem>>) target(%dma_start3A_44 : memref<10240x128xf32, #tpu.memory_space<vmem_shared>>) offsets(%dma_start3A_41 : memref<128xi32, #tpu.memory_space<vmem>>) semaphore(%run_scoped3A : memref<!tpu.dma_semaphore, #tpu.memory_space<semaphore_mem>>) {add = true}
        %dma_wait3A_45 = arith.constant 0 : i32
        %dma_wait3A_46 = tpu.memref_slice %arg8[%while3A_28, %dma_wait3A_45] : memref<127x128xi32, #tpu.memory_space<vmem>> -> memref<1x128xi32, #tpu.memory_space<vmem>>
        %dma_wait3A_47 = tpu.memref_squeeze %dma_wait3A_46 : memref<1x128xi32, #tpu.memory_space<vmem>> -> memref<128xi32, #tpu.memory_space<vmem>>
        %dma_wait3A_48 = arith.constant 0 : i32
        %dma_wait3A_49 = arith.constant 0 : i32
        %dma_wait3A_50 = tpu.memref_slice %arg10[%dma_wait3A_48, %dma_wait3A_49] : memref<10240x128xf32, #tpu.memory_space<vmem_shared>> -> memref<10240x128xf32, #tpu.memory_space<vmem_shared>>
        tpu.wait_indirect_dma semaphore(%run_scoped3A : memref<!tpu.dma_semaphore, #tpu.memory_space<semaphore_mem>>) src(%arg9 : memref<128x128xf32, #tpu.memory_space<vmem>>) dst(%dma_wait3A_50 : memref<10240x128xf32, #tpu.memory_space<vmem_shared>>)
        tpu.yield
      }) : () -> ()
    }
    %while3A_23 = arith.constant 1 : i32
    scf.for %while3A_28 = %while3A_21 to %while3A_17 step %while3A_23  : i32 {
      %dma_start3A = arith.constant 0 : i32
      %dma_start3A_29 = tpu.memref_slice %arg7[%while3A_28, %dma_start3A] : memref<127x128xi32, #tpu.memory_space<vmem>> -> memref<1x128xi32, #tpu.memory_space<vmem>>
      %dma_start3A_30 = tpu.memref_squeeze %dma_start3A_29 : memref<1x128xi32, #tpu.memory_space<vmem>> -> memref<128xi32, #tpu.memory_space<vmem>>
      %dma_start3A_31 = arith.constant 0 : i32
      %dma_start3A_32 = arith.constant 0 : i32
      %dma_start3A_33 = tpu.memref_slice %arg2[%dma_start3A_31, %dma_start3A_32] : memref<10240x128xf32, #tpu.memory_space<hbm>> -> memref<10240x128xf32, #tpu.memory_space<hbm>>
      tpu.enqueue_indirect_dma source(%dma_start3A_33 : memref<10240x128xf32, #tpu.memory_space<hbm>>) target(%arg9 : memref<128x128xf32, #tpu.memory_space<vmem>>) offsets(%dma_start3A_30 : memref<128xi32, #tpu.memory_space<vmem>>) semaphore(%arg11 : memref<!tpu.dma_semaphore, #tpu.memory_space<semaphore_mem>>)
      %dma_wait3A = arith.constant 0 : i32
      %dma_wait3A_34 = tpu.memref_slice %arg7[%while3A_28, %dma_wait3A] : memref<127x128xi32, #tpu.memory_space<vmem>> -> memref<1x128xi32, #tpu.memory_space<vmem>>
      %dma_wait3A_35 = tpu.memref_squeeze %dma_wait3A_34 : memref<1x128xi32, #tpu.memory_space<vmem>> -> memref<128xi32, #tpu.memory_space<vmem>>
      %dma_wait3A_36 = arith.constant 0 : i32
      %dma_wait3A_37 = arith.constant 0 : i32
      %dma_wait3A_38 = tpu.memref_slice %arg2[%dma_wait3A_36, %dma_wait3A_37] : memref<10240x128xf32, #tpu.memory_space<hbm>> -> memref<10240x128xf32, #tpu.memory_space<hbm>>
      tpu.wait_indirect_dma semaphore(%arg11 : memref<!tpu.dma_semaphore, #tpu.memory_space<semaphore_mem>>) src(%dma_wait3A_38 : memref<10240x128xf32, #tpu.memory_space<hbm>>) dst(%arg9 : memref<128x128xf32, #tpu.memory_space<vmem>>)
      "tpu.region"() ({
        %run_scoped3A = tpu.sem_alloc : memref<!tpu.dma_semaphore, #tpu.memory_space<semaphore_mem>>
        %dma_start3A_39 = arith.constant 0 : i32
        %dma_start3A_40 = tpu.memref_slice %arg8[%while3A_28, %dma_start3A_39] : memref<127x128xi32, #tpu.memory_space<vmem>> -> memref<1x128xi32, #tpu.memory_space<vmem>>
        %dma_start3A_41 = tpu.memref_squeeze %dma_start3A_40 : memref<1x128xi32, #tpu.memory_space<vmem>> -> memref<128xi32, #tpu.memory_space<vmem>>
        %dma_start3A_42 = arith.constant 0 : i32
        %dma_start3A_43 = arith.constant 0 : i32
        %dma_start3A_44 = tpu.memref_slice %arg10[%dma_start3A_42, %dma_start3A_43] : memref<10240x128xf32, #tpu.memory_space<vmem_shared>> -> memref<10240x128xf32, #tpu.memory_space<vmem_shared>>
        tpu.enqueue_indirect_dma source(%arg9 : memref<128x128xf32, #tpu.memory_space<vmem>>) target(%dma_start3A_44 : memref<10240x128xf32, #tpu.memory_space<vmem_shared>>) offsets(%dma_start3A_41 : memref<128xi32, #tpu.memory_space<vmem>>) semaphore(%run_scoped3A : memref<!tpu.dma_semaphore, #tpu.memory_space<semaphore_mem>>) {add = true}
        %dma_wait3A_45 = arith.constant 0 : i32
        %dma_wait3A_46 = tpu.memref_slice %arg8[%while3A_28, %dma_wait3A_45] : memref<127x128xi32, #tpu.memory_space<vmem>> -> memref<1x128xi32, #tpu.memory_space<vmem>>
        %dma_wait3A_47 = tpu.memref_squeeze %dma_wait3A_46 : memref<1x128xi32, #tpu.memory_space<vmem>> -> memref<128xi32, #tpu.memory_space<vmem>>
        %dma_wait3A_48 = arith.constant 0 : i32
        %dma_wait3A_49 = arith.constant 0 : i32
        %dma_wait3A_50 = tpu.memref_slice %arg10[%dma_wait3A_48, %dma_wait3A_49] : memref<10240x128xf32, #tpu.memory_space<vmem_shared>> -> memref<10240x128xf32, #tpu.memory_space<vmem_shared>>
        tpu.wait_indirect_dma semaphore(%run_scoped3A : memref<!tpu.dma_semaphore, #tpu.memory_space<semaphore_mem>>) src(%arg9 : memref<128x128xf32, #tpu.memory_space<vmem>>) dst(%dma_wait3A_50 : memref<10240x128xf32, #tpu.memory_space<vmem_shared>>)
        tpu.yield
      }) : () -> ()
    }
    %barrier3A_24 = arith.constant 0 : index
    tpu.barrier barrier_id(%barrier3A_24)
    %mul3A_25 = arith.constant 10240 : i32
    %mul3A_26 = arith.muli %arg0, %mul3A_25 : i32
    %add3A_27 = arith.addi %mul3A_26, %mul3A_2 : i32
    "tpu.region"() ({
      %run_scoped3A = tpu.sem_alloc : memref<!tpu.dma_semaphore, #tpu.memory_space<semaphore_mem>>
      %dma_start3A = arith.constant 0 : i32
      %dma_start3A_28 = tpu.memref_slice %arg6[%add3A_27, %dma_start3A] : memref<20480x128xf32, #tpu.memory_space<hbm>> -> memref<640x128xf32, #tpu.memory_space<hbm>>
      %dma_start3A_29 = arith.constant 0 : i32
      %dma_start3A_30 = tpu.memref_slice %arg10[%mul3A_2, %dma_start3A_29] : memref<10240x128xf32, #tpu.memory_space<vmem_shared>> -> memref<640x128xf32, #tpu.memory_space<vmem_shared>>
      tpu.enqueue_dma source(%dma_start3A_30 : memref<640x128xf32, #tpu.memory_space<vmem_shared>>) target(%dma_start3A_28 : memref<640x128xf32, #tpu.memory_space<hbm>>) target_semaphore(%run_scoped3A : memref<!tpu.dma_semaphore, #tpu.memory_space<semaphore_mem>>)
      %dma_wait3A = arith.constant 0 : i32
      %dma_wait3A_31 = tpu.memref_slice %arg6[%add3A_27, %dma_wait3A] : memref<20480x128xf32, #tpu.memory_space<hbm>> -> memref<640x128xf32, #tpu.memory_space<hbm>>
      %dma_wait3A_32 = arith.constant 0 : i32
      %dma_wait3A_33 = tpu.memref_slice %arg10[%mul3A_2, %dma_wait3A_32] : memref<10240x128xf32, #tpu.memory_space<vmem_shared>> -> memref<640x128xf32, #tpu.memory_space<vmem_shared>>
      tpu.wait_dma2 semaphore(%run_scoped3A : memref<!tpu.dma_semaphore, #tpu.memory_space<semaphore_mem>>) src(%dma_wait3A_33 : memref<640x128xf32, #tpu.memory_space<vmem_shared>>) dst(%dma_wait3A_31 : memref<640x128xf32, #tpu.memory_space<hbm>>)
      tpu.yield
    }) : () -> ()
    return
  }
}

#map = affine_map<(d0, d1) -> (0, 0, 0)>
#map1 = affine_map<(d0, d1) -> (0, 0)>
module attributes {stable_mosaic.version = 14 : i64} {
  func.func @_sc_degree(%arg0: i32, %arg1: i32, %arg2: memref<32x80x128xi32, #tpu.memory_space<hbm>>, %arg3: memref<128x128xf32, #tpu.memory_space<hbm>>, %arg4: memref<128x128xf32, #tpu.memory_space<hbm>>, %arg5: memref<20480x128xf32, #tpu.memory_space<hbm>>, %arg6: memref<80x128xi32, #tpu.memory_space<vmem>>, %arg7: memref<128x128xf32, #tpu.memory_space<vmem>>, %arg8: memref<10240x128xf32, #tpu.memory_space<vmem_shared>>) attributes {dimension_semantics = [#tpu.dimension_semantics<core_parallel>, #tpu.dimension_semantics<subcore_parallel>], iteration_bounds = array<i64: 2, 16>, scalar_prefetch = 0 : i64, scratch_operands = 3 : i64, tpu.core_type = #tpu.core_type<sc_vector_subcore>, window_params = [{transform_indices = #map}, {transform_indices = #map1}, {transform_indices = #map1}, {transform_indices = #map1}]} {
    %mul3A = arith.constant 16 : i32
    %mul3A_0 = arith.muli %arg0, %mul3A : i32
    %add3A = arith.addi %mul3A_0, %arg1 : i32
    %mul3A_1 = arith.constant 640 : i32
    %mul3A_2 = arith.muli %arg1, %mul3A_1 : i32
    %add3A_3 = arith.constant 0 : i32
    %add3A_4 = arith.addi %mul3A_2, %add3A_3 : i32
    "tpu.region"() ({
      %run_scoped3A = tpu.sem_alloc : memref<!tpu.dma_semaphore, #tpu.memory_space<semaphore_mem>>
      %dma_start3A = arith.constant 0 : i32
      %dma_start3A_22 = tpu.memref_slice %arg8[%add3A_4, %dma_start3A] : memref<10240x128xf32, #tpu.memory_space<vmem_shared>> -> memref<128x128xf32, #tpu.memory_space<vmem_shared>>
      tpu.enqueue_dma source(%arg4 : memref<128x128xf32, #tpu.memory_space<hbm>>) target(%dma_start3A_22 : memref<128x128xf32, #tpu.memory_space<vmem_shared>>) target_semaphore(%run_scoped3A : memref<!tpu.dma_semaphore, #tpu.memory_space<semaphore_mem>>)
      %dma_wait3A = arith.constant 0 : i32
      %dma_wait3A_23 = tpu.memref_slice %arg8[%add3A_4, %dma_wait3A] : memref<10240x128xf32, #tpu.memory_space<vmem_shared>> -> memref<128x128xf32, #tpu.memory_space<vmem_shared>>
      tpu.wait_dma2 semaphore(%run_scoped3A : memref<!tpu.dma_semaphore, #tpu.memory_space<semaphore_mem>>) src(%arg4 : memref<128x128xf32, #tpu.memory_space<hbm>>) dst(%dma_wait3A_23 : memref<128x128xf32, #tpu.memory_space<vmem_shared>>)
      tpu.yield
    }) : () -> ()
    %add3A_5 = arith.constant 128 : i32
    %add3A_6 = arith.addi %mul3A_2, %add3A_5 : i32
    "tpu.region"() ({
      %run_scoped3A = tpu.sem_alloc : memref<!tpu.dma_semaphore, #tpu.memory_space<semaphore_mem>>
      %dma_start3A = arith.constant 0 : i32
      %dma_start3A_22 = tpu.memref_slice %arg8[%add3A_6, %dma_start3A] : memref<10240x128xf32, #tpu.memory_space<vmem_shared>> -> memref<128x128xf32, #tpu.memory_space<vmem_shared>>
      tpu.enqueue_dma source(%arg4 : memref<128x128xf32, #tpu.memory_space<hbm>>) target(%dma_start3A_22 : memref<128x128xf32, #tpu.memory_space<vmem_shared>>) target_semaphore(%run_scoped3A : memref<!tpu.dma_semaphore, #tpu.memory_space<semaphore_mem>>)
      %dma_wait3A = arith.constant 0 : i32
      %dma_wait3A_23 = tpu.memref_slice %arg8[%add3A_6, %dma_wait3A] : memref<10240x128xf32, #tpu.memory_space<vmem_shared>> -> memref<128x128xf32, #tpu.memory_space<vmem_shared>>
      tpu.wait_dma2 semaphore(%run_scoped3A : memref<!tpu.dma_semaphore, #tpu.memory_space<semaphore_mem>>) src(%arg4 : memref<128x128xf32, #tpu.memory_space<hbm>>) dst(%dma_wait3A_23 : memref<128x128xf32, #tpu.memory_space<vmem_shared>>)
      tpu.yield
    }) : () -> ()
    %add3A_7 = arith.constant 256 : i32
    %add3A_8 = arith.addi %mul3A_2, %add3A_7 : i32
    "tpu.region"() ({
      %run_scoped3A = tpu.sem_alloc : memref<!tpu.dma_semaphore, #tpu.memory_space<semaphore_mem>>
      %dma_start3A = arith.constant 0 : i32
      %dma_start3A_22 = tpu.memref_slice %arg8[%add3A_8, %dma_start3A] : memref<10240x128xf32, #tpu.memory_space<vmem_shared>> -> memref<128x128xf32, #tpu.memory_space<vmem_shared>>
      tpu.enqueue_dma source(%arg4 : memref<128x128xf32, #tpu.memory_space<hbm>>) target(%dma_start3A_22 : memref<128x128xf32, #tpu.memory_space<vmem_shared>>) target_semaphore(%run_scoped3A : memref<!tpu.dma_semaphore, #tpu.memory_space<semaphore_mem>>)
      %dma_wait3A = arith.constant 0 : i32
      %dma_wait3A_23 = tpu.memref_slice %arg8[%add3A_8, %dma_wait3A] : memref<10240x128xf32, #tpu.memory_space<vmem_shared>> -> memref<128x128xf32, #tpu.memory_space<vmem_shared>>
      tpu.wait_dma2 semaphore(%run_scoped3A : memref<!tpu.dma_semaphore, #tpu.memory_space<semaphore_mem>>) src(%arg4 : memref<128x128xf32, #tpu.memory_space<hbm>>) dst(%dma_wait3A_23 : memref<128x128xf32, #tpu.memory_space<vmem_shared>>)
      tpu.yield
    }) : () -> ()
    %add3A_9 = arith.constant 384 : i32
    %add3A_10 = arith.addi %mul3A_2, %add3A_9 : i32
    "tpu.region"() ({
      %run_scoped3A = tpu.sem_alloc : memref<!tpu.dma_semaphore, #tpu.memory_space<semaphore_mem>>
      %dma_start3A = arith.constant 0 : i32
      %dma_start3A_22 = tpu.memref_slice %arg8[%add3A_10, %dma_start3A] : memref<10240x128xf32, #tpu.memory_space<vmem_shared>> -> memref<128x128xf32, #tpu.memory_space<vmem_shared>>
      tpu.enqueue_dma source(%arg4 : memref<128x128xf32, #tpu.memory_space<hbm>>) target(%dma_start3A_22 : memref<128x128xf32, #tpu.memory_space<vmem_shared>>) target_semaphore(%run_scoped3A : memref<!tpu.dma_semaphore, #tpu.memory_space<semaphore_mem>>)
      %dma_wait3A = arith.constant 0 : i32
      %dma_wait3A_23 = tpu.memref_slice %arg8[%add3A_10, %dma_wait3A] : memref<10240x128xf32, #tpu.memory_space<vmem_shared>> -> memref<128x128xf32, #tpu.memory_space<vmem_shared>>
      tpu.wait_dma2 semaphore(%run_scoped3A : memref<!tpu.dma_semaphore, #tpu.memory_space<semaphore_mem>>) src(%arg4 : memref<128x128xf32, #tpu.memory_space<hbm>>) dst(%dma_wait3A_23 : memref<128x128xf32, #tpu.memory_space<vmem_shared>>)
      tpu.yield
    }) : () -> ()
    %add3A_11 = arith.constant 512 : i32
    %add3A_12 = arith.addi %mul3A_2, %add3A_11 : i32
    "tpu.region"() ({
      %run_scoped3A = tpu.sem_alloc : memref<!tpu.dma_semaphore, #tpu.memory_space<semaphore_mem>>
      %dma_start3A = arith.constant 0 : i32
      %dma_start3A_22 = tpu.memref_slice %arg8[%add3A_12, %dma_start3A] : memref<10240x128xf32, #tpu.memory_space<vmem_shared>> -> memref<128x128xf32, #tpu.memory_space<vmem_shared>>
      tpu.enqueue_dma source(%arg4 : memref<128x128xf32, #tpu.memory_space<hbm>>) target(%dma_start3A_22 : memref<128x128xf32, #tpu.memory_space<vmem_shared>>) target_semaphore(%run_scoped3A : memref<!tpu.dma_semaphore, #tpu.memory_space<semaphore_mem>>)
      %dma_wait3A = arith.constant 0 : i32
      %dma_wait3A_23 = tpu.memref_slice %arg8[%add3A_12, %dma_wait3A] : memref<10240x128xf32, #tpu.memory_space<vmem_shared>> -> memref<128x128xf32, #tpu.memory_space<vmem_shared>>
      tpu.wait_dma2 semaphore(%run_scoped3A : memref<!tpu.dma_semaphore, #tpu.memory_space<semaphore_mem>>) src(%arg4 : memref<128x128xf32, #tpu.memory_space<hbm>>) dst(%dma_wait3A_23 : memref<128x128xf32, #tpu.memory_space<vmem_shared>>)
      tpu.yield
    }) : () -> ()
    "tpu.region"() ({
      %run_scoped3A = tpu.sem_alloc : memref<!tpu.dma_semaphore, #tpu.memory_space<semaphore_mem>>
      %dma_start3A = arith.constant 0 : i32
      %dma_start3A_22 = arith.constant 0 : i32
      %dma_start3A_23 = tpu.memref_slice %arg2[%add3A, %dma_start3A, %dma_start3A_22] : memref<32x80x128xi32, #tpu.memory_space<hbm>> -> memref<1x80x128xi32, #tpu.memory_space<hbm>>
      %dma_start3A_24 = tpu.memref_squeeze %dma_start3A_23 : memref<1x80x128xi32, #tpu.memory_space<hbm>> -> memref<80x128xi32, #tpu.memory_space<hbm>>
      %dma_start3A_25 = arith.constant 0 : i32
      %dma_start3A_26 = arith.constant 0 : i32
      %dma_start3A_27 = tpu.memref_slice %arg2[%add3A, %dma_start3A_25, %dma_start3A_26] : memref<32x80x128xi32, #tpu.memory_space<hbm>> -> memref<1x80x128xi32, #tpu.memory_space<hbm>>
      %dma_start3A_28 = tpu.memref_squeeze %dma_start3A_27 : memref<1x80x128xi32, #tpu.memory_space<hbm>> -> memref<80x128xi32, #tpu.memory_space<hbm>>
      tpu.enqueue_dma source(%dma_start3A_28 : memref<80x128xi32, #tpu.memory_space<hbm>>) target(%arg6 : memref<80x128xi32, #tpu.memory_space<vmem>>) target_semaphore(%run_scoped3A : memref<!tpu.dma_semaphore, #tpu.memory_space<semaphore_mem>>)
      %dma_wait3A = arith.constant 0 : i32
      %dma_wait3A_29 = arith.constant 0 : i32
      %dma_wait3A_30 = tpu.memref_slice %arg2[%add3A, %dma_wait3A, %dma_wait3A_29] : memref<32x80x128xi32, #tpu.memory_space<hbm>> -> memref<1x80x128xi32, #tpu.memory_space<hbm>>
      %dma_wait3A_31 = tpu.memref_squeeze %dma_wait3A_30 : memref<1x80x128xi32, #tpu.memory_space<hbm>> -> memref<80x128xi32, #tpu.memory_space<hbm>>
      %dma_wait3A_32 = arith.constant 0 : i32
      %dma_wait3A_33 = arith.constant 0 : i32
      %dma_wait3A_34 = tpu.memref_slice %arg2[%add3A, %dma_wait3A_32, %dma_wait3A_33] : memref<32x80x128xi32, #tpu.memory_space<hbm>> -> memref<1x80x128xi32, #tpu.memory_space<hbm>>
      %dma_wait3A_35 = tpu.memref_squeeze %dma_wait3A_34 : memref<1x80x128xi32, #tpu.memory_space<hbm>> -> memref<80x128xi32, #tpu.memory_space<hbm>>
      tpu.wait_dma2 semaphore(%run_scoped3A : memref<!tpu.dma_semaphore, #tpu.memory_space<semaphore_mem>>) src(%dma_wait3A_35 : memref<80x128xi32, #tpu.memory_space<hbm>>) dst(%arg6 : memref<80x128xi32, #tpu.memory_space<vmem>>)
      tpu.yield
    }) : () -> ()
    "tpu.region"() ({
      %run_scoped3A = tpu.sem_alloc : memref<!tpu.dma_semaphore, #tpu.memory_space<semaphore_mem>>
      tpu.enqueue_dma source(%arg3 : memref<128x128xf32, #tpu.memory_space<hbm>>) target(%arg7 : memref<128x128xf32, #tpu.memory_space<vmem>>) target_semaphore(%run_scoped3A : memref<!tpu.dma_semaphore, #tpu.memory_space<semaphore_mem>>)
      tpu.wait_dma2 semaphore(%run_scoped3A : memref<!tpu.dma_semaphore, #tpu.memory_space<semaphore_mem>>) src(%arg3 : memref<128x128xf32, #tpu.memory_space<hbm>>) dst(%arg7 : memref<128x128xf32, #tpu.memory_space<vmem>>)
      tpu.yield
    }) : () -> ()
    %barrier3A = arith.constant 0 : index
    tpu.barrier barrier_id(%barrier3A)
    %scan3A = arith.constant 0 : i32
    %scan3A_13 = arith.constant 0 : i32
    %scan3A_14 = arith.constant 80 : i32
    %scan3A_15 = arith.addi %scan3A_13, %scan3A_14 : i32
    %scan3A_16 = arith.constant 1 : i32
    scf.for %scan3A_22 = %scan3A_13 to %scan3A_15 step %scan3A_16  : i32 {
      "tpu.region"() ({
        %run_scoped3A = tpu.sem_alloc : memref<!tpu.dma_semaphore, #tpu.memory_space<semaphore_mem>>
        %dma_start3A = arith.constant 0 : i32
        %dma_start3A_23 = tpu.memref_slice %arg6[%scan3A_22, %dma_start3A] : memref<80x128xi32, #tpu.memory_space<vmem>> -> memref<1x128xi32, #tpu.memory_space<vmem>>
        %dma_start3A_24 = tpu.memref_squeeze %dma_start3A_23 : memref<1x128xi32, #tpu.memory_space<vmem>> -> memref<128xi32, #tpu.memory_space<vmem>>
        %dma_start3A_25 = arith.constant 0 : i32
        %dma_start3A_26 = arith.constant 0 : i32
        %dma_start3A_27 = tpu.memref_slice %arg8[%dma_start3A_25, %dma_start3A_26] : memref<10240x128xf32, #tpu.memory_space<vmem_shared>> -> memref<10240x128xf32, #tpu.memory_space<vmem_shared>>
        tpu.enqueue_indirect_dma source(%arg7 : memref<128x128xf32, #tpu.memory_space<vmem>>) target(%dma_start3A_27 : memref<10240x128xf32, #tpu.memory_space<vmem_shared>>) offsets(%dma_start3A_24 : memref<128xi32, #tpu.memory_space<vmem>>) semaphore(%run_scoped3A : memref<!tpu.dma_semaphore, #tpu.memory_space<semaphore_mem>>) {add = true}
        %dma_wait3A = arith.constant 0 : i32
        %dma_wait3A_28 = tpu.memref_slice %arg6[%scan3A_22, %dma_wait3A] : memref<80x128xi32, #tpu.memory_space<vmem>> -> memref<1x128xi32, #tpu.memory_space<vmem>>
        %dma_wait3A_29 = tpu.memref_squeeze %dma_wait3A_28 : memref<1x128xi32, #tpu.memory_space<vmem>> -> memref<128xi32, #tpu.memory_space<vmem>>
        %dma_wait3A_30 = arith.constant 0 : i32
        %dma_wait3A_31 = arith.constant 0 : i32
        %dma_wait3A_32 = tpu.memref_slice %arg8[%dma_wait3A_30, %dma_wait3A_31] : memref<10240x128xf32, #tpu.memory_space<vmem_shared>> -> memref<10240x128xf32, #tpu.memory_space<vmem_shared>>
        tpu.wait_indirect_dma semaphore(%run_scoped3A : memref<!tpu.dma_semaphore, #tpu.memory_space<semaphore_mem>>) src(%arg7 : memref<128x128xf32, #tpu.memory_space<vmem>>) dst(%dma_wait3A_32 : memref<10240x128xf32, #tpu.memory_space<vmem_shared>>)
        tpu.yield
      }) : () -> ()
    }
    %scan3A_17 = arith.constant 80 : i32
    %barrier3A_18 = arith.constant 0 : index
    tpu.barrier barrier_id(%barrier3A_18)
    %mul3A_19 = arith.constant 10240 : i32
    %mul3A_20 = arith.muli %arg0, %mul3A_19 : i32
    %add3A_21 = arith.addi %mul3A_20, %mul3A_2 : i32
    "tpu.region"() ({
      %run_scoped3A = tpu.sem_alloc : memref<!tpu.dma_semaphore, #tpu.memory_space<semaphore_mem>>
      %dma_start3A = arith.constant 0 : i32
      %dma_start3A_22 = tpu.memref_slice %arg5[%add3A_21, %dma_start3A] : memref<20480x128xf32, #tpu.memory_space<hbm>> -> memref<640x128xf32, #tpu.memory_space<hbm>>
      %dma_start3A_23 = arith.constant 0 : i32
      %dma_start3A_24 = tpu.memref_slice %arg8[%mul3A_2, %dma_start3A_23] : memref<10240x128xf32, #tpu.memory_space<vmem_shared>> -> memref<640x128xf32, #tpu.memory_space<vmem_shared>>
      tpu.enqueue_dma source(%dma_start3A_24 : memref<640x128xf32, #tpu.memory_space<vmem_shared>>) target(%dma_start3A_22 : memref<640x128xf32, #tpu.memory_space<hbm>>) target_semaphore(%run_scoped3A : memref<!tpu.dma_semaphore, #tpu.memory_space<semaphore_mem>>)
      %dma_wait3A = arith.constant 0 : i32
      %dma_wait3A_25 = tpu.memref_slice %arg5[%add3A_21, %dma_wait3A] : memref<20480x128xf32, #tpu.memory_space<hbm>> -> memref<640x128xf32, #tpu.memory_space<hbm>>
      %dma_wait3A_26 = arith.constant 0 : i32
      %dma_wait3A_27 = tpu.memref_slice %arg8[%mul3A_2, %dma_wait3A_26] : memref<10240x128xf32, #tpu.memory_space<vmem_shared>> -> memref<640x128xf32, #tpu.memory_space<vmem_shared>>
      tpu.wait_dma2 semaphore(%run_scoped3A : memref<!tpu.dma_semaphore, #tpu.memory_space<semaphore_mem>>) src(%dma_wait3A_27 : memref<640x128xf32, #tpu.memory_space<vmem_shared>>) dst(%dma_wait3A_25 : memref<640x128xf32, #tpu.memory_space<hbm>>)
      tpu.yield
    }) : () -> ()
    return
  }
}

#map = affine_map<(d0, d1) -> (0, 0)>
#map1 = affine_map<(d0, d1) -> (0, 0, 0)>
module attributes {stable_mosaic.version = 14 : i64} {
  func.func @_sc_aggregate(%arg0: i32, %arg1: i32, %arg2: memref<10240x128xf32, #tpu.memory_space<hbm>>, %arg3: memref<32x127x128xi32, #tpu.memory_space<hbm>>, %arg4: memref<32x127x128xi32, #tpu.memory_space<hbm>>, %arg5: memref<128x128xf32, #tpu.memory_space<hbm>>, %arg6: memref<20480x128xf32, #tpu.memory_space<hbm>>, %arg7: memref<127x128xi32, #tpu.memory_space<vmem>>, %arg8: memref<127x128xi32, #tpu.memory_space<vmem>>, %arg9: memref<128x128xf32, #tpu.memory_space<vmem>>, %arg10: memref<10240x128xf32, #tpu.memory_space<vmem_shared>>, %arg11: memref<!tpu.dma_semaphore, #tpu.memory_space<semaphore_mem>>) attributes {dimension_semantics = [#tpu.dimension_semantics<core_parallel>, #tpu.dimension_semantics<subcore_parallel>], iteration_bounds = array<i64: 2, 16>, scalar_prefetch = 0 : i64, scratch_operands = 5 : i64, tpu.core_type = #tpu.core_type<sc_vector_subcore>, window_params = [{transform_indices = #map}, {transform_indices = #map1}, {transform_indices = #map1}, {transform_indices = #map}, {transform_indices = #map}]} {
    %mul3A = arith.constant 16 : i32
    %mul3A_0 = arith.muli %arg0, %mul3A : i32
    %add3A = arith.addi %mul3A_0, %arg1 : i32
    %mul3A_1 = arith.constant 640 : i32
    %mul3A_2 = arith.muli %arg1, %mul3A_1 : i32
    %add3A_3 = arith.constant 0 : i32
    %add3A_4 = arith.addi %mul3A_2, %add3A_3 : i32
    "tpu.region"() ({
      %run_scoped3A = tpu.sem_alloc : memref<!tpu.dma_semaphore, #tpu.memory_space<semaphore_mem>>
      %dma_start3A = arith.constant 0 : i32
      %dma_start3A_28 = tpu.memref_slice %arg10[%add3A_4, %dma_start3A] : memref<10240x128xf32, #tpu.memory_space<vmem_shared>> -> memref<128x128xf32, #tpu.memory_space<vmem_shared>>
      tpu.enqueue_dma source(%arg5 : memref<128x128xf32, #tpu.memory_space<hbm>>) target(%dma_start3A_28 : memref<128x128xf32, #tpu.memory_space<vmem_shared>>) target_semaphore(%run_scoped3A : memref<!tpu.dma_semaphore, #tpu.memory_space<semaphore_mem>>)
      %dma_wait3A = arith.constant 0 : i32
      %dma_wait3A_29 = tpu.memref_slice %arg10[%add3A_4, %dma_wait3A] : memref<10240x128xf32, #tpu.memory_space<vmem_shared>> -> memref<128x128xf32, #tpu.memory_space<vmem_shared>>
      tpu.wait_dma2 semaphore(%run_scoped3A : memref<!tpu.dma_semaphore, #tpu.memory_space<semaphore_mem>>) src(%arg5 : memref<128x128xf32, #tpu.memory_space<hbm>>) dst(%dma_wait3A_29 : memref<128x128xf32, #tpu.memory_space<vmem_shared>>)
      tpu.yield
    }) : () -> ()
    %add3A_5 = arith.constant 128 : i32
    %add3A_6 = arith.addi %mul3A_2, %add3A_5 : i32
    "tpu.region"() ({
      %run_scoped3A = tpu.sem_alloc : memref<!tpu.dma_semaphore, #tpu.memory_space<semaphore_mem>>
      %dma_start3A = arith.constant 0 : i32
      %dma_start3A_28 = tpu.memref_slice %arg10[%add3A_6, %dma_start3A] : memref<10240x128xf32, #tpu.memory_space<vmem_shared>> -> memref<128x128xf32, #tpu.memory_space<vmem_shared>>
      tpu.enqueue_dma source(%arg5 : memref<128x128xf32, #tpu.memory_space<hbm>>) target(%dma_start3A_28 : memref<128x128xf32, #tpu.memory_space<vmem_shared>>) target_semaphore(%run_scoped3A : memref<!tpu.dma_semaphore, #tpu.memory_space<semaphore_mem>>)
      %dma_wait3A = arith.constant 0 : i32
      %dma_wait3A_29 = tpu.memref_slice %arg10[%add3A_6, %dma_wait3A] : memref<10240x128xf32, #tpu.memory_space<vmem_shared>> -> memref<128x128xf32, #tpu.memory_space<vmem_shared>>
      tpu.wait_dma2 semaphore(%run_scoped3A : memref<!tpu.dma_semaphore, #tpu.memory_space<semaphore_mem>>) src(%arg5 : memref<128x128xf32, #tpu.memory_space<hbm>>) dst(%dma_wait3A_29 : memref<128x128xf32, #tpu.memory_space<vmem_shared>>)
      tpu.yield
    }) : () -> ()
    %add3A_7 = arith.constant 256 : i32
    %add3A_8 = arith.addi %mul3A_2, %add3A_7 : i32
    "tpu.region"() ({
      %run_scoped3A = tpu.sem_alloc : memref<!tpu.dma_semaphore, #tpu.memory_space<semaphore_mem>>
      %dma_start3A = arith.constant 0 : i32
      %dma_start3A_28 = tpu.memref_slice %arg10[%add3A_8, %dma_start3A] : memref<10240x128xf32, #tpu.memory_space<vmem_shared>> -> memref<128x128xf32, #tpu.memory_space<vmem_shared>>
      tpu.enqueue_dma source(%arg5 : memref<128x128xf32, #tpu.memory_space<hbm>>) target(%dma_start3A_28 : memref<128x128xf32, #tpu.memory_space<vmem_shared>>) target_semaphore(%run_scoped3A : memref<!tpu.dma_semaphore, #tpu.memory_space<semaphore_mem>>)
      %dma_wait3A = arith.constant 0 : i32
      %dma_wait3A_29 = tpu.memref_slice %arg10[%add3A_8, %dma_wait3A] : memref<10240x128xf32, #tpu.memory_space<vmem_shared>> -> memref<128x128xf32, #tpu.memory_space<vmem_shared>>
      tpu.wait_dma2 semaphore(%run_scoped3A : memref<!tpu.dma_semaphore, #tpu.memory_space<semaphore_mem>>) src(%arg5 : memref<128x128xf32, #tpu.memory_space<hbm>>) dst(%dma_wait3A_29 : memref<128x128xf32, #tpu.memory_space<vmem_shared>>)
      tpu.yield
    }) : () -> ()
    %add3A_9 = arith.constant 384 : i32
    %add3A_10 = arith.addi %mul3A_2, %add3A_9 : i32
    "tpu.region"() ({
      %run_scoped3A = tpu.sem_alloc : memref<!tpu.dma_semaphore, #tpu.memory_space<semaphore_mem>>
      %dma_start3A = arith.constant 0 : i32
      %dma_start3A_28 = tpu.memref_slice %arg10[%add3A_10, %dma_start3A] : memref<10240x128xf32, #tpu.memory_space<vmem_shared>> -> memref<128x128xf32, #tpu.memory_space<vmem_shared>>
      tpu.enqueue_dma source(%arg5 : memref<128x128xf32, #tpu.memory_space<hbm>>) target(%dma_start3A_28 : memref<128x128xf32, #tpu.memory_space<vmem_shared>>) target_semaphore(%run_scoped3A : memref<!tpu.dma_semaphore, #tpu.memory_space<semaphore_mem>>)
      %dma_wait3A = arith.constant 0 : i32
      %dma_wait3A_29 = tpu.memref_slice %arg10[%add3A_10, %dma_wait3A] : memref<10240x128xf32, #tpu.memory_space<vmem_shared>> -> memref<128x128xf32, #tpu.memory_space<vmem_shared>>
      tpu.wait_dma2 semaphore(%run_scoped3A : memref<!tpu.dma_semaphore, #tpu.memory_space<semaphore_mem>>) src(%arg5 : memref<128x128xf32, #tpu.memory_space<hbm>>) dst(%dma_wait3A_29 : memref<128x128xf32, #tpu.memory_space<vmem_shared>>)
      tpu.yield
    }) : () -> ()
    %add3A_11 = arith.constant 512 : i32
    %add3A_12 = arith.addi %mul3A_2, %add3A_11 : i32
    "tpu.region"() ({
      %run_scoped3A = tpu.sem_alloc : memref<!tpu.dma_semaphore, #tpu.memory_space<semaphore_mem>>
      %dma_start3A = arith.constant 0 : i32
      %dma_start3A_28 = tpu.memref_slice %arg10[%add3A_12, %dma_start3A] : memref<10240x128xf32, #tpu.memory_space<vmem_shared>> -> memref<128x128xf32, #tpu.memory_space<vmem_shared>>
      tpu.enqueue_dma source(%arg5 : memref<128x128xf32, #tpu.memory_space<hbm>>) target(%dma_start3A_28 : memref<128x128xf32, #tpu.memory_space<vmem_shared>>) target_semaphore(%run_scoped3A : memref<!tpu.dma_semaphore, #tpu.memory_space<semaphore_mem>>)
      %dma_wait3A = arith.constant 0 : i32
      %dma_wait3A_29 = tpu.memref_slice %arg10[%add3A_12, %dma_wait3A] : memref<10240x128xf32, #tpu.memory_space<vmem_shared>> -> memref<128x128xf32, #tpu.memory_space<vmem_shared>>
      tpu.wait_dma2 semaphore(%run_scoped3A : memref<!tpu.dma_semaphore, #tpu.memory_space<semaphore_mem>>) src(%arg5 : memref<128x128xf32, #tpu.memory_space<hbm>>) dst(%dma_wait3A_29 : memref<128x128xf32, #tpu.memory_space<vmem_shared>>)
      tpu.yield
    }) : () -> ()
    "tpu.region"() ({
      %run_scoped3A = tpu.sem_alloc : memref<!tpu.dma_semaphore, #tpu.memory_space<semaphore_mem>>
      %dma_start3A = arith.constant 0 : i32
      %dma_start3A_28 = arith.constant 0 : i32
      %dma_start3A_29 = tpu.memref_slice %arg3[%add3A, %dma_start3A, %dma_start3A_28] : memref<32x127x128xi32, #tpu.memory_space<hbm>> -> memref<1x127x128xi32, #tpu.memory_space<hbm>>
      %dma_start3A_30 = tpu.memref_squeeze %dma_start3A_29 : memref<1x127x128xi32, #tpu.memory_space<hbm>> -> memref<127x128xi32, #tpu.memory_space<hbm>>
      %dma_start3A_31 = arith.constant 0 : i32
      %dma_start3A_32 = arith.constant 0 : i32
      %dma_start3A_33 = tpu.memref_slice %arg3[%add3A, %dma_start3A_31, %dma_start3A_32] : memref<32x127x128xi32, #tpu.memory_space<hbm>> -> memref<1x127x128xi32, #tpu.memory_space<hbm>>
      %dma_start3A_34 = tpu.memref_squeeze %dma_start3A_33 : memref<1x127x128xi32, #tpu.memory_space<hbm>> -> memref<127x128xi32, #tpu.memory_space<hbm>>
      tpu.enqueue_dma source(%dma_start3A_34 : memref<127x128xi32, #tpu.memory_space<hbm>>) target(%arg7 : memref<127x128xi32, #tpu.memory_space<vmem>>) target_semaphore(%run_scoped3A : memref<!tpu.dma_semaphore, #tpu.memory_space<semaphore_mem>>)
      %dma_wait3A = arith.constant 0 : i32
      %dma_wait3A_35 = arith.constant 0 : i32
      %dma_wait3A_36 = tpu.memref_slice %arg3[%add3A, %dma_wait3A, %dma_wait3A_35] : memref<32x127x128xi32, #tpu.memory_space<hbm>> -> memref<1x127x128xi32, #tpu.memory_space<hbm>>
      %dma_wait3A_37 = tpu.memref_squeeze %dma_wait3A_36 : memref<1x127x128xi32, #tpu.memory_space<hbm>> -> memref<127x128xi32, #tpu.memory_space<hbm>>
      %dma_wait3A_38 = arith.constant 0 : i32
      %dma_wait3A_39 = arith.constant 0 : i32
      %dma_wait3A_40 = tpu.memref_slice %arg3[%add3A, %dma_wait3A_38, %dma_wait3A_39] : memref<32x127x128xi32, #tpu.memory_space<hbm>> -> memref<1x127x128xi32, #tpu.memory_space<hbm>>
      %dma_wait3A_41 = tpu.memref_squeeze %dma_wait3A_40 : memref<1x127x128xi32, #tpu.memory_space<hbm>> -> memref<127x128xi32, #tpu.memory_space<hbm>>
      tpu.wait_dma2 semaphore(%run_scoped3A : memref<!tpu.dma_semaphore, #tpu.memory_space<semaphore_mem>>) src(%dma_wait3A_41 : memref<127x128xi32, #tpu.memory_space<hbm>>) dst(%arg7 : memref<127x128xi32, #tpu.memory_space<vmem>>)
      tpu.yield
    }) : () -> ()
    "tpu.region"() ({
      %run_scoped3A = tpu.sem_alloc : memref<!tpu.dma_semaphore, #tpu.memory_space<semaphore_mem>>
      %dma_start3A = arith.constant 0 : i32
      %dma_start3A_28 = arith.constant 0 : i32
      %dma_start3A_29 = tpu.memref_slice %arg4[%add3A, %dma_start3A, %dma_start3A_28] : memref<32x127x128xi32, #tpu.memory_space<hbm>> -> memref<1x127x128xi32, #tpu.memory_space<hbm>>
      %dma_start3A_30 = tpu.memref_squeeze %dma_start3A_29 : memref<1x127x128xi32, #tpu.memory_space<hbm>> -> memref<127x128xi32, #tpu.memory_space<hbm>>
      %dma_start3A_31 = arith.constant 0 : i32
      %dma_start3A_32 = arith.constant 0 : i32
      %dma_start3A_33 = tpu.memref_slice %arg4[%add3A, %dma_start3A_31, %dma_start3A_32] : memref<32x127x128xi32, #tpu.memory_space<hbm>> -> memref<1x127x128xi32, #tpu.memory_space<hbm>>
      %dma_start3A_34 = tpu.memref_squeeze %dma_start3A_33 : memref<1x127x128xi32, #tpu.memory_space<hbm>> -> memref<127x128xi32, #tpu.memory_space<hbm>>
      tpu.enqueue_dma source(%dma_start3A_34 : memref<127x128xi32, #tpu.memory_space<hbm>>) target(%arg8 : memref<127x128xi32, #tpu.memory_space<vmem>>) target_semaphore(%run_scoped3A : memref<!tpu.dma_semaphore, #tpu.memory_space<semaphore_mem>>)
      %dma_wait3A = arith.constant 0 : i32
      %dma_wait3A_35 = arith.constant 0 : i32
      %dma_wait3A_36 = tpu.memref_slice %arg4[%add3A, %dma_wait3A, %dma_wait3A_35] : memref<32x127x128xi32, #tpu.memory_space<hbm>> -> memref<1x127x128xi32, #tpu.memory_space<hbm>>
      %dma_wait3A_37 = tpu.memref_squeeze %dma_wait3A_36 : memref<1x127x128xi32, #tpu.memory_space<hbm>> -> memref<127x128xi32, #tpu.memory_space<hbm>>
      %dma_wait3A_38 = arith.constant 0 : i32
      %dma_wait3A_39 = arith.constant 0 : i32
      %dma_wait3A_40 = tpu.memref_slice %arg4[%add3A, %dma_wait3A_38, %dma_wait3A_39] : memref<32x127x128xi32, #tpu.memory_space<hbm>> -> memref<1x127x128xi32, #tpu.memory_space<hbm>>
      %dma_wait3A_41 = tpu.memref_squeeze %dma_wait3A_40 : memref<1x127x128xi32, #tpu.memory_space<hbm>> -> memref<127x128xi32, #tpu.memory_space<hbm>>
      tpu.wait_dma2 semaphore(%run_scoped3A : memref<!tpu.dma_semaphore, #tpu.memory_space<semaphore_mem>>) src(%dma_wait3A_41 : memref<127x128xi32, #tpu.memory_space<hbm>>) dst(%arg8 : memref<127x128xi32, #tpu.memory_space<vmem>>)
      tpu.yield
    }) : () -> ()
    %barrier3A = arith.constant 0 : index
    tpu.barrier barrier_id(%barrier3A)
    %eq3A = arith.constant 0 : i32
    %eq3A_13 = arith.cmpi eq, %arg0, %eq3A : i32
    %jit3A = arith.constant 127 : i32
    %jit3A_14 = arith.constant 33 : i32
    %select_n3A = arith.select %eq3A_13, %jit3A, %jit3A_14 : i32
    %while3A = arith.constant 0 : i32
    %while3A_15 = arith.constant 0 : i32
    %while3A_16 = arith.subi %select_n3A, %while3A_15 : i32
    %while3A_17 = arith.addi %while3A_15, %while3A_16 : i32
    %while3A_18 = arith.constant 1 : i32
    %while3A_19 = arith.divsi %while3A_16, %while3A_18 : i32
    %while3A_20 = arith.muli %while3A_19, %while3A_18 : i32
    %while3A_21 = arith.addi %while3A_15, %while3A_20 : i32
    %while3A_22 = arith.constant 1 : i32
    scf.for %while3A_28 = %while3A_15 to %while3A_21 step %while3A_22  : i32 {
      %dma_start3A = arith.constant 0 : i32
      %dma_start3A_29 = tpu.memref_slice %arg7[%while3A_28, %dma_start3A] : memref<127x128xi32, #tpu.memory_space<vmem>> -> memref<1x128xi32, #tpu.memory_space<vmem>>
      %dma_start3A_30 = tpu.memref_squeeze %dma_start3A_29 : memref<1x128xi32, #tpu.memory_space<vmem>> -> memref<128xi32, #tpu.memory_space<vmem>>
      %dma_start3A_31 = arith.constant 0 : i32
      %dma_start3A_32 = arith.constant 0 : i32
      %dma_start3A_33 = tpu.memref_slice %arg2[%dma_start3A_31, %dma_start3A_32] : memref<10240x128xf32, #tpu.memory_space<hbm>> -> memref<10240x128xf32, #tpu.memory_space<hbm>>
      tpu.enqueue_indirect_dma source(%dma_start3A_33 : memref<10240x128xf32, #tpu.memory_space<hbm>>) target(%arg9 : memref<128x128xf32, #tpu.memory_space<vmem>>) offsets(%dma_start3A_30 : memref<128xi32, #tpu.memory_space<vmem>>) semaphore(%arg11 : memref<!tpu.dma_semaphore, #tpu.memory_space<semaphore_mem>>)
      %dma_wait3A = arith.constant 0 : i32
      %dma_wait3A_34 = tpu.memref_slice %arg7[%while3A_28, %dma_wait3A] : memref<127x128xi32, #tpu.memory_space<vmem>> -> memref<1x128xi32, #tpu.memory_space<vmem>>
      %dma_wait3A_35 = tpu.memref_squeeze %dma_wait3A_34 : memref<1x128xi32, #tpu.memory_space<vmem>> -> memref<128xi32, #tpu.memory_space<vmem>>
      %dma_wait3A_36 = arith.constant 0 : i32
      %dma_wait3A_37 = arith.constant 0 : i32
      %dma_wait3A_38 = tpu.memref_slice %arg2[%dma_wait3A_36, %dma_wait3A_37] : memref<10240x128xf32, #tpu.memory_space<hbm>> -> memref<10240x128xf32, #tpu.memory_space<hbm>>
      tpu.wait_indirect_dma semaphore(%arg11 : memref<!tpu.dma_semaphore, #tpu.memory_space<semaphore_mem>>) src(%dma_wait3A_38 : memref<10240x128xf32, #tpu.memory_space<hbm>>) dst(%arg9 : memref<128x128xf32, #tpu.memory_space<vmem>>)
      "tpu.region"() ({
        %run_scoped3A = tpu.sem_alloc : memref<!tpu.dma_semaphore, #tpu.memory_space<semaphore_mem>>
        %dma_start3A_39 = arith.constant 0 : i32
        %dma_start3A_40 = tpu.memref_slice %arg8[%while3A_28, %dma_start3A_39] : memref<127x128xi32, #tpu.memory_space<vmem>> -> memref<1x128xi32, #tpu.memory_space<vmem>>
        %dma_start3A_41 = tpu.memref_squeeze %dma_start3A_40 : memref<1x128xi32, #tpu.memory_space<vmem>> -> memref<128xi32, #tpu.memory_space<vmem>>
        %dma_start3A_42 = arith.constant 0 : i32
        %dma_start3A_43 = arith.constant 0 : i32
        %dma_start3A_44 = tpu.memref_slice %arg10[%dma_start3A_42, %dma_start3A_43] : memref<10240x128xf32, #tpu.memory_space<vmem_shared>> -> memref<10240x128xf32, #tpu.memory_space<vmem_shared>>
        tpu.enqueue_indirect_dma source(%arg9 : memref<128x128xf32, #tpu.memory_space<vmem>>) target(%dma_start3A_44 : memref<10240x128xf32, #tpu.memory_space<vmem_shared>>) offsets(%dma_start3A_41 : memref<128xi32, #tpu.memory_space<vmem>>) semaphore(%run_scoped3A : memref<!tpu.dma_semaphore, #tpu.memory_space<semaphore_mem>>) {add = true}
        %dma_wait3A_45 = arith.constant 0 : i32
        %dma_wait3A_46 = tpu.memref_slice %arg8[%while3A_28, %dma_wait3A_45] : memref<127x128xi32, #tpu.memory_space<vmem>> -> memref<1x128xi32, #tpu.memory_space<vmem>>
        %dma_wait3A_47 = tpu.memref_squeeze %dma_wait3A_46 : memref<1x128xi32, #tpu.memory_space<vmem>> -> memref<128xi32, #tpu.memory_space<vmem>>
        %dma_wait3A_48 = arith.constant 0 : i32
        %dma_wait3A_49 = arith.constant 0 : i32
        %dma_wait3A_50 = tpu.memref_slice %arg10[%dma_wait3A_48, %dma_wait3A_49] : memref<10240x128xf32, #tpu.memory_space<vmem_shared>> -> memref<10240x128xf32, #tpu.memory_space<vmem_shared>>
        tpu.wait_indirect_dma semaphore(%run_scoped3A : memref<!tpu.dma_semaphore, #tpu.memory_space<semaphore_mem>>) src(%arg9 : memref<128x128xf32, #tpu.memory_space<vmem>>) dst(%dma_wait3A_50 : memref<10240x128xf32, #tpu.memory_space<vmem_shared>>)
        tpu.yield
      }) : () -> ()
    }
    %while3A_23 = arith.constant 1 : i32
    scf.for %while3A_28 = %while3A_21 to %while3A_17 step %while3A_23  : i32 {
      %dma_start3A = arith.constant 0 : i32
      %dma_start3A_29 = tpu.memref_slice %arg7[%while3A_28, %dma_start3A] : memref<127x128xi32, #tpu.memory_space<vmem>> -> memref<1x128xi32, #tpu.memory_space<vmem>>
      %dma_start3A_30 = tpu.memref_squeeze %dma_start3A_29 : memref<1x128xi32, #tpu.memory_space<vmem>> -> memref<128xi32, #tpu.memory_space<vmem>>
      %dma_start3A_31 = arith.constant 0 : i32
      %dma_start3A_32 = arith.constant 0 : i32
      %dma_start3A_33 = tpu.memref_slice %arg2[%dma_start3A_31, %dma_start3A_32] : memref<10240x128xf32, #tpu.memory_space<hbm>> -> memref<10240x128xf32, #tpu.memory_space<hbm>>
      tpu.enqueue_indirect_dma source(%dma_start3A_33 : memref<10240x128xf32, #tpu.memory_space<hbm>>) target(%arg9 : memref<128x128xf32, #tpu.memory_space<vmem>>) offsets(%dma_start3A_30 : memref<128xi32, #tpu.memory_space<vmem>>) semaphore(%arg11 : memref<!tpu.dma_semaphore, #tpu.memory_space<semaphore_mem>>)
      %dma_wait3A = arith.constant 0 : i32
      %dma_wait3A_34 = tpu.memref_slice %arg7[%while3A_28, %dma_wait3A] : memref<127x128xi32, #tpu.memory_space<vmem>> -> memref<1x128xi32, #tpu.memory_space<vmem>>
      %dma_wait3A_35 = tpu.memref_squeeze %dma_wait3A_34 : memref<1x128xi32, #tpu.memory_space<vmem>> -> memref<128xi32, #tpu.memory_space<vmem>>
      %dma_wait3A_36 = arith.constant 0 : i32
      %dma_wait3A_37 = arith.constant 0 : i32
      %dma_wait3A_38 = tpu.memref_slice %arg2[%dma_wait3A_36, %dma_wait3A_37] : memref<10240x128xf32, #tpu.memory_space<hbm>> -> memref<10240x128xf32, #tpu.memory_space<hbm>>
      tpu.wait_indirect_dma semaphore(%arg11 : memref<!tpu.dma_semaphore, #tpu.memory_space<semaphore_mem>>) src(%dma_wait3A_38 : memref<10240x128xf32, #tpu.memory_space<hbm>>) dst(%arg9 : memref<128x128xf32, #tpu.memory_space<vmem>>)
      "tpu.region"() ({
        %run_scoped3A = tpu.sem_alloc : memref<!tpu.dma_semaphore, #tpu.memory_space<semaphore_mem>>
        %dma_start3A_39 = arith.constant 0 : i32
        %dma_start3A_40 = tpu.memref_slice %arg8[%while3A_28, %dma_start3A_39] : memref<127x128xi32, #tpu.memory_space<vmem>> -> memref<1x128xi32, #tpu.memory_space<vmem>>
        %dma_start3A_41 = tpu.memref_squeeze %dma_start3A_40 : memref<1x128xi32, #tpu.memory_space<vmem>> -> memref<128xi32, #tpu.memory_space<vmem>>
        %dma_start3A_42 = arith.constant 0 : i32
        %dma_start3A_43 = arith.constant 0 : i32
        %dma_start3A_44 = tpu.memref_slice %arg10[%dma_start3A_42, %dma_start3A_43] : memref<10240x128xf32, #tpu.memory_space<vmem_shared>> -> memref<10240x128xf32, #tpu.memory_space<vmem_shared>>
        tpu.enqueue_indirect_dma source(%arg9 : memref<128x128xf32, #tpu.memory_space<vmem>>) target(%dma_start3A_44 : memref<10240x128xf32, #tpu.memory_space<vmem_shared>>) offsets(%dma_start3A_41 : memref<128xi32, #tpu.memory_space<vmem>>) semaphore(%run_scoped3A : memref<!tpu.dma_semaphore, #tpu.memory_space<semaphore_mem>>) {add = true}
        %dma_wait3A_45 = arith.constant 0 : i32
        %dma_wait3A_46 = tpu.memref_slice %arg8[%while3A_28, %dma_wait3A_45] : memref<127x128xi32, #tpu.memory_space<vmem>> -> memref<1x128xi32, #tpu.memory_space<vmem>>
        %dma_wait3A_47 = tpu.memref_squeeze %dma_wait3A_46 : memref<1x128xi32, #tpu.memory_space<vmem>> -> memref<128xi32, #tpu.memory_space<vmem>>
        %dma_wait3A_48 = arith.constant 0 : i32
        %dma_wait3A_49 = arith.constant 0 : i32
        %dma_wait3A_50 = tpu.memref_slice %arg10[%dma_wait3A_48, %dma_wait3A_49] : memref<10240x128xf32, #tpu.memory_space<vmem_shared>> -> memref<10240x128xf32, #tpu.memory_space<vmem_shared>>
        tpu.wait_indirect_dma semaphore(%run_scoped3A : memref<!tpu.dma_semaphore, #tpu.memory_space<semaphore_mem>>) src(%arg9 : memref<128x128xf32, #tpu.memory_space<vmem>>) dst(%dma_wait3A_50 : memref<10240x128xf32, #tpu.memory_space<vmem_shared>>)
        tpu.yield
      }) : () -> ()
    }
    %barrier3A_24 = arith.constant 0 : index
    tpu.barrier barrier_id(%barrier3A_24)
    %mul3A_25 = arith.constant 10240 : i32
    %mul3A_26 = arith.muli %arg0, %mul3A_25 : i32
    %add3A_27 = arith.addi %mul3A_26, %mul3A_2 : i32
    "tpu.region"() ({
      %run_scoped3A = tpu.sem_alloc : memref<!tpu.dma_semaphore, #tpu.memory_space<semaphore_mem>>
      %dma_start3A = arith.constant 0 : i32
      %dma_start3A_28 = tpu.memref_slice %arg6[%add3A_27, %dma_start3A] : memref<20480x128xf32, #tpu.memory_space<hbm>> -> memref<640x128xf32, #tpu.memory_space<hbm>>
      %dma_start3A_29 = arith.constant 0 : i32
      %dma_start3A_30 = tpu.memref_slice %arg10[%mul3A_2, %dma_start3A_29] : memref<10240x128xf32, #tpu.memory_space<vmem_shared>> -> memref<640x128xf32, #tpu.memory_space<vmem_shared>>
      tpu.enqueue_dma source(%dma_start3A_30 : memref<640x128xf32, #tpu.memory_space<vmem_shared>>) target(%dma_start3A_28 : memref<640x128xf32, #tpu.memory_space<hbm>>) target_semaphore(%run_scoped3A : memref<!tpu.dma_semaphore, #tpu.memory_space<semaphore_mem>>)
      %dma_wait3A = arith.constant 0 : i32
      %dma_wait3A_31 = tpu.memref_slice %arg6[%add3A_27, %dma_wait3A] : memref<20480x128xf32, #tpu.memory_space<hbm>> -> memref<640x128xf32, #tpu.memory_space<hbm>>
      %dma_wait3A_32 = arith.constant 0 : i32
      %dma_wait3A_33 = tpu.memref_slice %arg10[%mul3A_2, %dma_wait3A_32] : memref<10240x128xf32, #tpu.memory_space<vmem_shared>> -> memref<640x128xf32, #tpu.memory_space<vmem_shared>>
      tpu.wait_dma2 semaphore(%run_scoped3A : memref<!tpu.dma_semaphore, #tpu.memory_space<semaphore_mem>>) src(%dma_wait3A_33 : memref<640x128xf32, #tpu.memory_space<vmem_shared>>) dst(%dma_wait3A_31 : memref<640x128xf32, #tpu.memory_space<hbm>>)
      tpu.yield
    }) : () -> ()
    return
  }
}

module attributes {stable_mosaic.version = 14 : i64} {
  func.func @_tc1_body(%arg0: i32, %arg1: memref<320x128xf32, #tpu.memory_space<vmem>>, %arg2: memref<320x2xf32, #tpu.memory_space<vmem>>, %arg3: memref<128x128xf32, #tpu.memory_space<vmem>>, %arg4: memref<320x128xf32, #tpu.memory_space<vmem>>) attributes {dimension_semantics = [#tpu.dimension_semantics<arbitrary>], iteration_bounds = array<i64: 32>, scalar_prefetch = 0 : i64, scratch_operands = 0 : i64, tpu.core_type = #tpu.core_type<tc>, window_params = [{transform_indices = @transform_0, window_bounds = array<i64: 320, 128>}, {transform_indices = @transform_1, window_bounds = array<i64: 320, 2>}, {pipeline_mode = #tpu.pipeline_mode<synchronous>, transform_indices = @transform_2, window_bounds = array<i64: 128, 128>}, {transform_indices = @transform_3, window_bounds = array<i64: 320, 128>}]} {
    %get3A = arith.constant 0 : index
    %get3A_0 = arith.constant 0 : index
    %get3A_1 = vector.load %arg2[%get3A, %get3A_0] : memref<320x2xf32, #tpu.memory_space<vmem>>, vector<320x2xf32>
    %slice3A = vector.extract_strided_slice %get3A_1 {offsets = [0, 0], sizes = [320, 1], strides = [1, 1]} : vector<320x2xf32> to vector<320x1xf32>
    %slice3A_2 = vector.extract_strided_slice %get3A_1 {offsets = [0, 1], sizes = [320, 1], strides = [1, 1]} : vector<320x2xf32> to vector<320x1xf32>
    %add3A = arith.addf %slice3A, %slice3A_2 : vector<320x1xf32>
    %add3A_3 = arith.constant 1.000000e+00 : f32
    %add3A_4 = vector.broadcast %add3A_3 : f32 to vector<320x1xf32>
    %add3A_5 = arith.addf %add3A, %add3A_4 : vector<320x1xf32>
    %rsqrt3A = math.rsqrt %add3A_5 : vector<320x1xf32>
    %get3A_6 = arith.constant 0 : index
    %get3A_7 = arith.constant 0 : index
    %get3A_8 = vector.load %arg1[%get3A_6, %get3A_7] : memref<320x128xf32, #tpu.memory_space<vmem>>, vector<320x128xf32>
    %get3A_9 = arith.constant 0 : index
    %get3A_10 = arith.constant 0 : index
    %get3A_11 = vector.load %arg3[%get3A_9, %get3A_10] : memref<128x128xf32, #tpu.memory_space<vmem>>, vector<128x128xf32>
    %dot_general3A = arith.constant dense<0.000000e+00> : vector<320x128xf32>
    %dot_general3A_12 = tpu.matmul %get3A_8, %get3A_11, %dot_general3A {dimension_numbers = #tpu.dot_dimension_numbers<[1], [0], [0], [1], [0, 0, 1, 1], [], []>, transpose_lhs_hint = false} : vector<320x128xf32>, vector<128x128xf32>, vector<320x128xf32> -> vector<320x128xf32>
    %mul3A = vector.broadcast %rsqrt3A : vector<320x1xf32> to vector<320x128xf32>
    %mul3A_13 = arith.mulf %dot_general3A_12, %mul3A : vector<320x128xf32>
    %swap3A = arith.constant 0 : index
    %swap3A_14 = arith.constant 0 : index
    %swap3A_15 = vector.load %arg4[%swap3A, %swap3A_14] : memref<320x128xf32, #tpu.memory_space<vmem>>, vector<320x128xf32>
    tpu.vector_store %arg4[%swap3A, %swap3A_14], %mul3A_13 {strides = array<i32>} : memref<320x128xf32, #tpu.memory_space<vmem>>, vector<320x128xf32>,
    return
  }
  func.func @transform_0(%arg0: i32) -> (i32, i32) {
    %c0_i32 = arith.constant 0 : i32
    %c0_i32_0 = arith.constant 0 : i32
    return %arg0, %c0_i32 : i32, i32
  }
  func.func @transform_1(%arg0: i32) -> (i32, i32) {
    %c0_i32 = arith.constant 0 : i32
    %c0_i32_0 = arith.constant 0 : i32
    return %arg0, %c0_i32 : i32, i32
  }
  func.func @transform_2(%arg0: i32) -> (i32, i32) {
    %c0_i32 = arith.constant 0 : i32
    %c0_i32_0 = arith.constant 0 : i32
    %c0_i32_1 = arith.constant 0 : i32
    return %c0_i32, %c0_i32_0 : i32, i32
  }
  func.func @transform_3(%arg0: i32) -> (i32, i32) {
    %c0_i32 = arith.constant 0 : i32
    %c0_i32_0 = arith.constant 0 : i32
    return %arg0, %c0_i32 : i32, i32
  }
}

module attributes {stable_mosaic.version = 14 : i64} {
  func.func @_tc_mid_body(%arg0: i32, %arg1: memref<2x320x128xf32, #tpu.memory_space<vmem>>, %arg2: memref<320x128xf32, #tpu.memory_space<vmem>>, %arg3: memref<320x2xf32, #tpu.memory_space<vmem>>, %arg4: memref<1x128xf32, #tpu.memory_space<vmem>>, %arg5: memref<128x128xf32, #tpu.memory_space<vmem>>, %arg6: memref<320x128xf32, #tpu.memory_space<vmem>>) attributes {dimension_semantics = [#tpu.dimension_semantics<arbitrary>], iteration_bounds = array<i64: 32>, scalar_prefetch = 0 : i64, scratch_operands = 0 : i64, tpu.core_type = #tpu.core_type<tc>, window_params = [{transform_indices = @transform_0, window_bounds = array<i64: 2, 320, 128>}, {transform_indices = @transform_1, window_bounds = array<i64: 320, 128>}, {transform_indices = @transform_2, window_bounds = array<i64: 320, 2>}, {pipeline_mode = #tpu.pipeline_mode<synchronous>, transform_indices = @transform_3, window_bounds = array<i64: 1, 128>}, {pipeline_mode = #tpu.pipeline_mode<synchronous>, transform_indices = @transform_4, window_bounds = array<i64: 128, 128>}, {transform_indices = @transform_5, window_bounds = array<i64: 320, 128>}]} {
    %get3A = arith.constant 0 : index
    %get3A_0 = arith.constant 0 : index
    %get3A_1 = vector.load %arg3[%get3A, %get3A_0] : memref<320x2xf32, #tpu.memory_space<vmem>>, vector<320x2xf32>
    %slice3A = vector.extract_strided_slice %get3A_1 {offsets = [0, 0], sizes = [320, 1], strides = [1, 1]} : vector<320x2xf32> to vector<320x1xf32>
    %slice3A_2 = vector.extract_strided_slice %get3A_1 {offsets = [0, 1], sizes = [320, 1], strides = [1, 1]} : vector<320x2xf32> to vector<320x1xf32>
    %add3A = arith.addf %slice3A, %slice3A_2 : vector<320x1xf32>
    %add3A_3 = arith.constant 1.000000e+00 : f32
    %add3A_4 = vector.broadcast %add3A_3 : f32 to vector<320x1xf32>
    %add3A_5 = arith.addf %add3A, %add3A_4 : vector<320x1xf32>
    %rsqrt3A = math.rsqrt %add3A_5 : vector<320x1xf32>
    %get3A_6 = arith.constant 0 : index
    %get3A_7 = arith.constant 0 : index
    %get3A_8 = arith.constant 0 : index
    %get3A_9 = vector.load %arg1[%get3A_6, %get3A_7, %get3A_8] : memref<2x320x128xf32, #tpu.memory_space<vmem>>, vector<2x320x128xf32>
    %slice3A_10 = vector.extract_strided_slice %get3A_9 {offsets = [0, 0, 0], sizes = [1, 320, 128], strides = [1, 1, 1]} : vector<2x320x128xf32> to vector<1x320x128xf32>
    %squeeze3A = vector.shape_cast %slice3A_10 : vector<1x320x128xf32> to vector<320x128xf32>
    %slice3A_11 = vector.extract_strided_slice %get3A_9 {offsets = [1, 0, 0], sizes = [1, 320, 128], strides = [1, 1, 1]} : vector<2x320x128xf32> to vector<1x320x128xf32>
    %squeeze3A_12 = vector.shape_cast %slice3A_11 : vector<1x320x128xf32> to vector<320x128xf32>
    %add3A_13 = arith.addf %squeeze3A, %squeeze3A_12 : vector<320x128xf32>
    %get3A_14 = arith.constant 0 : index
    %get3A_15 = arith.constant 0 : index
    %get3A_16 = vector.load %arg2[%get3A_14, %get3A_15] : memref<320x128xf32, #tpu.memory_space<vmem>>, vector<320x128xf32>
    %add3A_17 = arith.addf %add3A_13, %get3A_16 : vector<320x128xf32>
    %mul3A = vector.broadcast %rsqrt3A : vector<320x1xf32> to vector<320x128xf32>
    %mul3A_18 = arith.mulf %add3A_17, %mul3A : vector<320x128xf32>
    %get3A_19 = arith.constant 0 : index
    %get3A_20 = arith.constant 0 : index
    %get3A_21 = vector.load %arg4[%get3A_19, %get3A_20] : memref<1x128xf32, #tpu.memory_space<vmem>>, vector<1x128xf32>
    %add3A_22 = vector.broadcast %get3A_21 : vector<1x128xf32> to vector<320x128xf32>
    %add3A_23 = arith.addf %mul3A_18, %add3A_22 : vector<320x128xf32>
    %max3A = arith.constant 0.000000e+00 : f32
    %max3A_24 = vector.broadcast %max3A : f32 to vector<320x128xf32>
    %max3A_25 = arith.maximumf %add3A_23, %max3A_24 : vector<320x128xf32>
    %get3A_26 = arith.constant 0 : index
    %get3A_27 = arith.constant 0 : index
    %get3A_28 = vector.load %arg5[%get3A_26, %get3A_27] : memref<128x128xf32, #tpu.memory_space<vmem>>, vector<128x128xf32>
    %dot_general3A = arith.constant dense<0.000000e+00> : vector<320x128xf32>
    %dot_general3A_29 = tpu.matmul %max3A_25, %get3A_28, %dot_general3A {dimension_numbers = #tpu.dot_dimension_numbers<[1], [0], [0], [1], [0, 0, 1, 1], [], []>, transpose_lhs_hint = false} : vector<320x128xf32>, vector<128x128xf32>, vector<320x128xf32> -> vector<320x128xf32>
    %mul3A_30 = vector.broadcast %rsqrt3A : vector<320x1xf32> to vector<320x128xf32>
    %mul3A_31 = arith.mulf %dot_general3A_29, %mul3A_30 : vector<320x128xf32>
    %swap3A = arith.constant 0 : index
    %swap3A_32 = arith.constant 0 : index
    %swap3A_33 = vector.load %arg6[%swap3A, %swap3A_32] : memref<320x128xf32, #tpu.memory_space<vmem>>, vector<320x128xf32>
    tpu.vector_store %arg6[%swap3A, %swap3A_32], %mul3A_31 {strides = array<i32>} : memref<320x128xf32, #tpu.memory_space<vmem>>, vector<320x128xf32>,
    return
  }
  func.func @transform_0(%arg0: i32) -> (i32, i32, i32) {
    %c0_i32 = arith.constant 0 : i32
    %c0_i32_0 = arith.constant 0 : i32
    %c0_i32_1 = arith.constant 0 : i32
    return %c0_i32, %arg0, %c0_i32_0 : i32, i32, i32
  }
  func.func @transform_1(%arg0: i32) -> (i32, i32) {
    %c0_i32 = arith.constant 0 : i32
    %c0_i32_0 = arith.constant 0 : i32
    return %arg0, %c0_i32 : i32, i32
  }
  func.func @transform_2(%arg0: i32) -> (i32, i32) {
    %c0_i32 = arith.constant 0 : i32
    %c0_i32_0 = arith.constant 0 : i32
    return %arg0, %c0_i32 : i32, i32
  }
  func.func @transform_3(%arg0: i32) -> (i32, i32) {
    %c0_i32 = arith.constant 0 : i32
    %c0_i32_0 = arith.constant 0 : i32
    %c0_i32_1 = arith.constant 0 : i32
    return %c0_i32, %c0_i32_0 : i32, i32
  }
  func.func @transform_4(%arg0: i32) -> (i32, i32) {
    %c0_i32 = arith.constant 0 : i32
    %c0_i32_0 = arith.constant 0 : i32
    %c0_i32_1 = arith.constant 0 : i32
    return %c0_i32, %c0_i32_0 : i32, i32
  }
  func.func @transform_5(%arg0: i32) -> (i32, i32) {
    %c0_i32 = arith.constant 0 : i32
    %c0_i32_0 = arith.constant 0 : i32
    return %arg0, %c0_i32 : i32, i32
  }
}

module attributes {stable_mosaic.version = 14 : i64} {
  func.func @_tc_out_body(%arg0: i32, %arg1: memref<2x320x128xf32, #tpu.memory_space<vmem>>, %arg2: memref<320x128xf32, #tpu.memory_space<vmem>>, %arg3: memref<320x2xf32, #tpu.memory_space<vmem>>, %arg4: memref<1x128xf32, #tpu.memory_space<vmem>>, %arg5: memref<1x128xf32, #tpu.memory_space<vmem>>, %arg6: memref<1x1xf32, #tpu.memory_space<vmem>>, %arg7: memref<320x128xf32, #tpu.memory_space<vmem>>) attributes {dimension_semantics = [#tpu.dimension_semantics<arbitrary>], iteration_bounds = array<i64: 32>, scalar_prefetch = 0 : i64, scratch_operands = 0 : i64, tpu.core_type = #tpu.core_type<tc>, window_params = [{transform_indices = @transform_0, window_bounds = array<i64: 2, 320, 128>}, {transform_indices = @transform_1, window_bounds = array<i64: 320, 128>}, {transform_indices = @transform_2, window_bounds = array<i64: 320, 2>}, {pipeline_mode = #tpu.pipeline_mode<synchronous>, transform_indices = @transform_3, window_bounds = array<i64: 1, 128>}, {pipeline_mode = #tpu.pipeline_mode<synchronous>, transform_indices = @transform_4, window_bounds = array<i64: 1, 128>}, {pipeline_mode = #tpu.pipeline_mode<synchronous>, transform_indices = @transform_5, window_bounds = array<i64: 1, 1>}, {transform_indices = @transform_6, window_bounds = array<i64: 320, 128>}]} {
    %get3A = arith.constant 0 : index
    %get3A_0 = arith.constant 0 : index
    %get3A_1 = vector.load %arg3[%get3A, %get3A_0] : memref<320x2xf32, #tpu.memory_space<vmem>>, vector<320x2xf32>
    %slice3A = vector.extract_strided_slice %get3A_1 {offsets = [0, 0], sizes = [320, 1], strides = [1, 1]} : vector<320x2xf32> to vector<320x1xf32>
    %slice3A_2 = vector.extract_strided_slice %get3A_1 {offsets = [0, 1], sizes = [320, 1], strides = [1, 1]} : vector<320x2xf32> to vector<320x1xf32>
    %add3A = arith.addf %slice3A, %slice3A_2 : vector<320x1xf32>
    %add3A_3 = arith.constant 1.000000e+00 : f32
    %add3A_4 = vector.broadcast %add3A_3 : f32 to vector<320x1xf32>
    %add3A_5 = arith.addf %add3A, %add3A_4 : vector<320x1xf32>
    %rsqrt3A = math.rsqrt %add3A_5 : vector<320x1xf32>
    %get3A_6 = arith.constant 0 : index
    %get3A_7 = arith.constant 0 : index
    %get3A_8 = arith.constant 0 : index
    %get3A_9 = vector.load %arg1[%get3A_6, %get3A_7, %get3A_8] : memref<2x320x128xf32, #tpu.memory_space<vmem>>, vector<2x320x128xf32>
    %slice3A_10 = vector.extract_strided_slice %get3A_9 {offsets = [0, 0, 0], sizes = [1, 320, 128], strides = [1, 1, 1]} : vector<2x320x128xf32> to vector<1x320x128xf32>
    %squeeze3A = vector.shape_cast %slice3A_10 : vector<1x320x128xf32> to vector<320x128xf32>
    %slice3A_11 = vector.extract_strided_slice %get3A_9 {offsets = [1, 0, 0], sizes = [1, 320, 128], strides = [1, 1, 1]} : vector<2x320x128xf32> to vector<1x320x128xf32>
    %squeeze3A_12 = vector.shape_cast %slice3A_11 : vector<1x320x128xf32> to vector<320x128xf32>
    %add3A_13 = arith.addf %squeeze3A, %squeeze3A_12 : vector<320x128xf32>
    %get3A_14 = arith.constant 0 : index
    %get3A_15 = arith.constant 0 : index
    %get3A_16 = vector.load %arg2[%get3A_14, %get3A_15] : memref<320x128xf32, #tpu.memory_space<vmem>>, vector<320x128xf32>
    %add3A_17 = arith.addf %add3A_13, %get3A_16 : vector<320x128xf32>
    %mul3A = vector.broadcast %rsqrt3A : vector<320x1xf32> to vector<320x128xf32>
    %mul3A_18 = arith.mulf %add3A_17, %mul3A : vector<320x128xf32>
    %get3A_19 = arith.constant 0 : index
    %get3A_20 = arith.constant 0 : index
    %get3A_21 = vector.load %arg4[%get3A_19, %get3A_20] : memref<1x128xf32, #tpu.memory_space<vmem>>, vector<1x128xf32>
    %add3A_22 = vector.broadcast %get3A_21 : vector<1x128xf32> to vector<320x128xf32>
    %add3A_23 = arith.addf %mul3A_18, %add3A_22 : vector<320x128xf32>
    %max3A = arith.constant 0.000000e+00 : f32
    %max3A_24 = vector.broadcast %max3A : f32 to vector<320x128xf32>
    %max3A_25 = arith.maximumf %add3A_23, %max3A_24 : vector<320x128xf32>
    %get3A_26 = arith.constant 0 : index
    %get3A_27 = arith.constant 0 : index
    %get3A_28 = vector.load %arg5[%get3A_26, %get3A_27] : memref<1x128xf32, #tpu.memory_space<vmem>>, vector<1x128xf32>
    %mul3A_29 = vector.broadcast %get3A_28 : vector<1x128xf32> to vector<320x128xf32>
    %mul3A_30 = arith.mulf %max3A_25, %mul3A_29 : vector<320x128xf32>
    %reduce_sum3A = arith.constant dense<0.000000e+00> : vector<320xf32>
    %reduce_sum3A_31 = vector.multi_reduction <add>, %mul3A_30, %reduce_sum3A [1] : vector<320x128xf32> to vector<320xf32>
    %broadcast_in_dim3A = vector.shape_cast %reduce_sum3A_31 : vector<320xf32> to vector<320x1xf32>
    %get3A_32 = arith.constant 0 : index
    %get3A_33 = arith.constant 0 : index
    %get3A_34 = vector.load %arg6[%get3A_32, %get3A_33] : memref<1x1xf32, #tpu.memory_space<vmem>>, vector<1x1xf32>
    %add3A_35 = vector.broadcast %get3A_34 : vector<1x1xf32> to vector<320x1xf32>
    %add3A_36 = arith.addf %broadcast_in_dim3A, %add3A_35 : vector<320x1xf32>
    %broadcast_in_dim3A_37 = vector.shape_cast %add3A_36 : vector<320x1xf32> to vector<320x1xf32>
    %broadcast_in_dim3A_38 = vector.broadcast %broadcast_in_dim3A_37 : vector<320x1xf32> to vector<320x128xf32>
    %swap3A = arith.constant 0 : index
    %swap3A_39 = arith.constant 0 : index
    %swap3A_40 = vector.load %arg7[%swap3A, %swap3A_39] : memref<320x128xf32, #tpu.memory_space<vmem>>, vector<320x128xf32>
    tpu.vector_store %arg7[%swap3A, %swap3A_39], %broadcast_in_dim3A_38 {strides = array<i32>} : memref<320x128xf32, #tpu.memory_space<vmem>>, vector<320x128xf32>,
    return
  }
  func.func @transform_0(%arg0: i32) -> (i32, i32, i32) {
    %c0_i32 = arith.constant 0 : i32
    %c0_i32_0 = arith.constant 0 : i32
    %c0_i32_1 = arith.constant 0 : i32
    return %c0_i32, %arg0, %c0_i32_0 : i32, i32, i32
  }
  func.func @transform_1(%arg0: i32) -> (i32, i32) {
    %c0_i32 = arith.constant 0 : i32
    %c0_i32_0 = arith.constant 0 : i32
    return %arg0, %c0_i32 : i32, i32
  }
  func.func @transform_2(%arg0: i32) -> (i32, i32) {
    %c0_i32 = arith.constant 0 : i32
    %c0_i32_0 = arith.constant 0 : i32
    return %arg0, %c0_i32 : i32, i32
  }
  func.func @transform_3(%arg0: i32) -> (i32, i32) {
    %c0_i32 = arith.constant 0 : i32
    %c0_i32_0 = arith.constant 0 : i32
    %c0_i32_1 = arith.constant 0 : i32
    return %c0_i32, %c0_i32_0 : i32, i32
  }
  func.func @transform_4(%arg0: i32) -> (i32, i32) {
    %c0_i32 = arith.constant 0 : i32
    %c0_i32_0 = arith.constant 0 : i32
    %c0_i32_1 = arith.constant 0 : i32
    return %c0_i32, %c0_i32_0 : i32, i32
  }
  func.func @transform_5(%arg0: i32) -> (i32, i32) {
    %c0_i32 = arith.constant 0 : i32
    %c0_i32_0 = arith.constant 0 : i32
    %c0_i32_1 = arith.constant 0 : i32
    return %c0_i32, %c0_i32_0 : i32, i32
  }
  func.func @transform_6(%arg0: i32) -> (i32, i32) {
    %c0_i32 = arith.constant 0 : i32
    %c0_i32_0 = arith.constant 0 : i32
    return %arg0, %c0_i32 : i32, i32
  }
}

</mosaic_0001>

<sc_bundles>
// kernel: kernel.11.cloned.1.call-start
scs
__scs_entry_jumppad:
0x0: {  	(pc) =	sbr.rel $0x88, $3  }
0x1: {  	(tag) =	ssettag $0x0;
	lr =	simm.s32 $0x1  }
0x2: {  	[smem:$0x3F99] =	sst lr;
	_ =	strace $0xD0000000  }
0x3: {  	_ = 	snop  }
0x4: {  	_ = 	snop  }
0x5: {  	_ = 	snop  }
0x6: {  	_ = 	snop  }
0x7: {  	_ = 	snop  }
__scs_overlays_trampoline_lowered:
0x8: {  	[smem:$0x3FA8] =	sst s0  }
0x9: {  	[smem:$0x3FA9] =	sst s1  }
0xa: {  	[smem:$0x3FAA] =	sst s2  }
0xb: {  	[smem:$0x3FAB] =	sst s3  }
0xc: {  	[smem:$0x3FAC] =	sst s4  }
0xd: {  	[smem:$0x3FAD] =	sst s5  }
0xe: {  	[smem:$0x3FAE] =	sst s6  }
0xf: {  	[smem:$0x3FAF] =	sst s7  }
0x10: {  	[smem:$0x3FB0] =	sst s8  }
0x11: {  	[smem:$0x3FB1] =	sst s9;
	s0 =	simm.s32 @!p0 $0x0  }
0x12: {  	s1 =	sld [smem:$0x3F97];
	s0 =	simm.s32 @p0 $0x1  }
0x13: {  	[smem:$0x3FB2] =	sst s0;
	s0 =	simm.s32 @!p1 $0x0  }
0x14: {  	s2 =	sld [smem:$0x3F96];
	s0 =	simm.s32 @p1 $0x1  }
0x15: {  	[smem:$0x3FB3] =	sst s0;
	s0 =	simm.s32 @!p2 $0x0  }
0x16: {  	s3 =	sld [smem:$0x3FDB];
	s0 =	simm.s32 @p2 $0x1  }
0x17: {  	s4 =	simm.s32 $0x1BF5;
	[smem:$0x3FB5] =	sst s0  }
0x18: {  	s0 =	sld [smem:$0x3F98];
	_ =	swait.ge [sflag:s4], $0x0  }
0x19: {  	s7 =	sld [smem:$0x3F99]  }
0x1a: {  	s8 =	sadd.s32 $0xFFFFE003, lr  }
0x1b: {  	s9 =	sadd.s32 $0xFFFFFEF7, lr;
	s5 =	simm.s32 $0xFFFFFFFF;
	p2 =	slt.u32 s8, $0xFFFFF086  }
0x1c: {  	p1 =	slt.u32 s9, $0xF7A;
	s5 =	simm.s32 @!p2 $0x0  }
0x1d: {  	s5 =	simm.s32 @p1 $0x1;
	p0 =	seq.s32 s7, s2  }
0x1e: {  	s7 =	smul.u32 @!p0 $0xF7A, s2;
	p2 =	seq.s32 @!p0 s5, $0x0  }
0x1f: {  	s9 =	smul.u32 $0xF7A, s1;
	s8 =	simm.s32 @!p0 $0x1BF5;
	p2 =	por !p2, p0  }
0x20: {  	[sflag:s8] =	ssyncset.s32 @!p0 $0xFFFFF086;
	s6 =	sadd.s32 @!p0 s3, s7;
	s7 =	simm.s32 @!p0 $0x108  }
0x21: {  	s3 =	sadd.s32 s3, s9;
	s6 =	sadd.s32 @!p0 $0x88, s6;
	s7 =	simm.s32 @p2 $0x1082  }
0x22: {  	[simem:s7], [sflag:s8] =	dma.local @!p0 [hbm:s6], $0xF7A  }
0x23: {  	s9 =	sor.u32 $0xD0000000, s2;
	s6 =	simm.s32 $0x108;
	_ =	swait.ge @!p0 [sflag:s8], $0x0  }
0x24: {  	s3 =	sadd.s32 $0x88, s3;
	s6 =	simm.s32 @!p1 $0x1082;
	[sflag:s4] =	ssyncset.s32 $0xFFFFF086  }
0x25: {  	[simem:s6], [sflag:s4] =	dma.local [hbm:s3], $0xF7A  }
0x26: {  	[smem:$0x3F99] =	sst s1;
	(tag) =	ssettag s2;
	_ =	strace s9  }
0x27: {  	s1 =	sld [smem:$0x3FA9]  }
0x28: {  	s2 =	sld [smem:$0x3FAA]  }
0x29: {  	s4 =	sld [smem:$0x3FAC]  }
0x2a: {  	p0 =	seq.s32 s5, $0x0;
	s5 =	sld [smem:$0x3FAD]  }
0x2b: {  	s6 =	sld [smem:$0x3FAE]  }
0x2c: {  	s7 =	sld [smem:$0x3FAF]  }
0x2d: {  	s3 =	simm.s32 $0x108;
	s8 =	sld [smem:$0x3FB0]  }
0x2e: {  	s3 =	simm.s32 @!p0 $0x1082;
	s9 =	sld [smem:$0x3FB1]  }
0x2f: {  	lr =	sadd.s32 s0, s3;
	s0 =	sld [smem:$0x3FA8]  }
0x30: {  	s3 =	sld [smem:$0x3FAB]  }
0x31: {  	[smem:$0x3FB4] =	sst s10  }
0x32: {  	s10 =	sld [smem:$0x3FB2];
	_ =	sdelay $0x3  }
0x33: {  	p0 =	seq.s32 s10, $0x1;
	s10 =	sld [smem:$0x3FB4];
	_ =	sdelay $0x3  }
0x34: {  	[smem:$0x3FB4] =	sst s10  }
0x35: {  	s10 =	sld [smem:$0x3FB3];
	_ =	sdelay $0x3  }
0x36: {  	p1 =	seq.s32 s10, $0x1;
	s10 =	sld [smem:$0x3FB4];
	_ =	sdelay $0x3  }
0x37: {  	[smem:$0x3FB4] =	sst s10  }
0x38: {  	s10 =	sld [smem:$0x3FB5]  }
0x39: {  	_ = 	snop;
	(pc) =	sbr.ind lr, $3  }
0x3a: {  	_ = 	snop  }
0x3b: {  	_ = 	snop  }
0x3c: {  	p2 =	seq.s32 s10, $0x1;
	s10 =	sld [smem:$0x3FB4]  }
0x3d: {  	_ =	shalt  }
0x3e: {  	_ =	shalt  }
0x3f: {  	_ =	shalt  }
0x40: {  	_ =	shalt  }
0x41: {  	_ =	shalt  }
0x42: {  	_ =	shalt  }
0x43: {  	_ =	shalt  }
0x44: {  	_ =	shalt  }
0x45: {  	_ =	shalt  }
0x46: {  	_ =	shalt  }
0x47: {  	_ =	shalt  }
0x48: {  	_ =	shalt  }
0x49: {  	_ =	shalt  }
0x4a: {  	_ =	shalt  }
0x4b: {  	_ =	shalt  }
0x4c: {  	_ =	shalt  }
0x4d: {  	_ =	shalt  }
0x4e: {  	_ =	shalt  }
0x4f: {  	_ =	shalt  }
0x50: {  	_ =	shalt  }
0x51: {  	_ =	shalt  }
0x52: {  	_ =	shalt  }
0x53: {  	_ =	shalt  }
0x54: {  	_ =	shalt  }
0x55: {  	_ =	shalt  }
0x56: {  	_ =	shalt  }
0x57: {  	_ =	shalt  }
0x58: {  	_ =	shalt  }
0x59: {  	_ =	shalt  }
0x5a: {  	_ =	shalt  }
0x5b: {  	_ =	shalt  }
0x5c: {  	_ =	shalt  }
0x5d: {  	_ =	shalt  }
0x5e: {  	_ =	shalt  }
0x5f: {  	_ =	shalt  }
0x60: {  	_ =	shalt  }
0x61: {  	_ =	shalt  }
0x62: {  	_ =	shalt  }
0x63: {  	_ =	shalt  }
0x64: {  	_ =	shalt  }
0x65: {  	_ =	shalt  }
0x66: {  	_ =	shalt  }
0x67: {  	_ =	shalt  }
0x68: {  	_ =	shalt  }
0x69: {  	_ =	shalt  }
0x6a: {  	_ =	shalt  }
0x6b: {  	_ =	shalt  }
0x6c: {  	_ =	shalt  }
0x6d: {  	_ =	shalt  }
0x6e: {  	_ =	shalt  }
0x6f: {  	_ =	shalt  }
0x70: {  	_ =	shalt  }
0x71: {  	_ =	shalt  }
0x72: {  	_ =	shalt  }
0x73: {  	_ =	shalt  }
0x74: {  	_ =	shalt  }
0x75: {  	_ =	shalt  }
0x76: {  	_ =	shalt  }
0x77: {  	_ =	shalt  }
0x78: {  	_ =	shalt  }
0x79: {  	_ =	shalt  }
0x7a: {  	_ =	shalt  }
0x7b: {  	_ =	shalt  }
0x7c: {  	_ =	shalt  }
0x7d: {  	_ =	shalt  }
0x7e: {  	_ =	shalt  }
0x7f: {  	_ =	shalt  }
0x80: {  	_ =	shalt  }
0x81: {  	_ =	shalt  }
0x82: {  	_ =	shalt  }
0x83: {  	_ =	shalt  }
0x84: {  	_ =	shalt  }
0x85: {  	_ =	shalt  }
0x86: {  	_ =	shalt  }
0x87: {  	_ =	shalt  }
.Lfunc_end0:
.L_simem_size_0:
called_computation.1_lowered:
.L_overlay_start_0:
0x88: {  	s2 =	sld [smem:$0x3FD9]  }
0x89: {  	s3 =	sld [smem:$0x3FFE];
	_ =	sdelay $0x1  }
0x8a: {  	s1 =	srdreg.scid  }
0x8b: {  	s0 =	sand.u32 $0x1, s1  }
0x8c: {  	s16 =	sshll.u32 s0, $0xA;
	s2 =	sadd.s32 s3, s2  }
0x8d: {  	s2 =	sadd.s32 s2, s16  }
0x8e: {  	[smem:$0x3FC0] =	sst s2  }
0x8f: {  	_ = 	snop  }
0x90: {  	(tm) =	ssettm $0x1  }
0x91: {  	s17 =	sld [smem:$0x3FFB];
	_ =	sdelay $0x3  }
0x92: {  	_ =	strace s17  }
0x93: {  	s2 =	sld [smem:$0x3FFC];
	_ =	sdelay $0x3  }
0x94: {  	_ =	strace s2  }
0x95: {  	s2 =	sld [smem:$0x3FFD];
	_ =	sdelay $0x3  }
0x96: {  	_ =	strace s2  }
0x97: {  	_ =	strace $0x8FFFFFFF  }
0x98: {  	s18 =	sld [smem:$0x3FDB];
	_ =	sdelay $0x1  }
0x99: {  	s19 =	simm.s32 $_scs_section_size  }
0x9a: {  	s4 =	simm.s32 $_size__tile_overlayer_lowered;
	s5 =	simm.s32 $_tile_overlayer_lowered  }
0x9b: {  	s22 =	simm.s32 $0x1BFF;
	s21 =	sshll.u32 s5, $0x1;
	s2 =	sadd.s32 s19, s18  }
0x9c: {  	s6 =	simm.s32 $0x0;
	s20 =	sshll.u32 s4, $0x1;
	s4 =	sadd.s32 s21, s2  }
0x9d: {  	[timem:s6], [sflag:s22] =	dma.local [hbm:s4], s20  }
0x9e: {  	_ =	swait.ge [sflag:s22], s20  }
0x9f: {  	s3 =	ssub.s32 $0x0, s20;
	[sflag:s22] =	ssyncset.done $0x0  }
0xa0: {  	[sflag:s22] =	ssyncadd.s32 s3;
	_ =	sdelay $0x1  }
0xa1: {  	s23 =	simm.s32 $0x1B8B  }
0xa2: {  	_ =	swait.ge [sflag:s23], $0x1  }
0xa3: {  	[sflag:s23] =	ssyncset.done $0x0  }
0xa4: {  	s25 =	simm.s32 $0x1B8E;
	s24 =	sld [smem:$0x3FFE];
	[sflag:s23] =	ssyncadd.s32 $0xFFFFFFFF  }
0xa5: {  	s26 =	simm.s32 $execute0_lowered;
	[smem:$0x3FD2] =	sst s25  }
0xa6: {  	s4 =	sshll.u32 s26, $0x1;
	_ =	strace $0x80000049;
	[dreg:$0x1] =	wrdreg $0xFFFFFFFF  }
0xa7: {  	s28 =	simm.s32 $_size_execute0_lowered;
	s2 =	sadd.s32 s2, s4;
	[dreg:$0x0] =	wrdreg $0x0  }
0xa8: {  	s4 =	sshll.u32 s28, $0x1;
	[dreg:$0x2] =	wrdreg s2  }
0xa9: {  	[dreg:$0x3] =	wrdreg s4  }
0xaa: {  	[dreg:$0x4] =	wrdreg $0xC0  }
0xab: {  	_ =	task [dreg:s6], $0x5FFFF  }
0xac: {  	[dreg:$0x1] =	wrdreg $0xFFFFFFFF  }
0xad: {  	[dreg:$0x0] =	wrdreg $0x60  }
0xae: {  	[dreg:$0x2] =	wrdreg s24  }
0xaf: {  	[dreg:$0x3] =	wrdreg $0xC0000  }
0xb0: {  	[dreg:$0x4] =	wrdreg $0x9  }
0xb1: {  	_ =	task.clear_ibuf [dreg:s6], $0x5FFFF;
	_ =	strace $0x90000049  }
0xb2: {  	s29 =	simm.s32 $0x9;
	_ =	strace $0x8000004B  }
0xb3: {  	_ =	swait.ge [sflag:s29], $0x1  }
0xb4: {  	[sflag:s29] =	ssyncadd.s32 $0xFFFFFFFF  }
0xb5: {  	_ =	strace $0x9000004B  }
0xb6: {  	_ =	sfence  }
0xb7: {  	s30 =	sld [smem:$0x0];
	_ =	sdelay $0x2  }
0xb8: {  	s31 =	sshll.u32 s1, $0xD;
	s1 =	sshrl.u32 s1, $0x2  }
0xb9: {  	s3 =	sand.u32 $0x4000, s31;
	s1 =	sadd.s32 s1, s30  }
0xba: {  	s0 =	sor.u32 s3, s0;
	s1 =	sshll.u32 s1, $0x11  }
0xbb: {  	s0 =	sor.u32 s1, s0  }
0xbc: {  	s0 =	sadd.s32 $0x8F2B, s0  }
0xbd: {  	[sflag:s0] =	ssyncadd.remote.s32 $0x1  }
0xbe: {  	_ =	sfence.sel $0xFFFF  }
0xbf: {  	[dreg:$0x0] =	wrdreg $0xFFFFFFFF;
	(pc) =	sbr.abs _section_cstart, $3  }
0xc0: {  	[dreg:$0x1] =	wrdreg $0xFFFFFFFF  }
0xc1: {  	_ =	task.clear_ibuf [dreg:s6], $0x2FFFF;
	_ =	strace $0x9FFFFFFF  }
0xc2: {  	(tm) =	ssettm $0x7FFFFFFF  }
0xc3: {  	_ =	shalt  }
tec
execute0_lowered:
.L_overlay_start_1:
0x0: {  	(tag) =	ssettag $0x1  }
0x1: {  	s6 =	rddreg [dreg:$0x0]  }
0x2: {  	s2 =	rddreg [dreg:$0x1]  }
0x3: {  	s0 =	rddreg [dreg:$0x2]  }
0x4: {  	s3 =	simm.s32 $0x0;
	s4 =	srdreg.scid;
	s1 =	stileid.u32  }
0x5: {  	s19 =	simm.s32 $0x8000;
	s20 =	simm.s32 $0x1;
	s21 =	simm.s32 $0x0  }
0x6: {  	[smem:$0x7FF] =	sst s3;
	s7 =	sand.u32 $0x1, s4;
	s5 =	smul.u32 $0x2800, s1  }
0x7: {  	s9 =	sshll.u32 s1, $0xB;
	s4 =	sadd.s32 $0xB400, s6;
	s29 =	smul.u32 $0x50000, s1  }
0x8: {  	s12 =	sshll.u32 s1, $0x6;
	s8 =	sshll.u32 s7, $0xF;
	s10 =	smul.u32 $0x28000, s7  }
0x9: {  	_ =	strace $0x8000004A;
	s30 =	ssub.s32 $0x2, s7;
	p0 =	seq.s32 s7, $0x0  }
0xa: {  	s7 =	simm.s32 $0x7F;
	s8 =	sor.u32 s9, s8;
	s31 =	sshrl.u32 s30, $0x1  }
0xb: {  	s7 =	simm.s32 @!p0 $0x21;
	s9 =	sadd.s32 s8, s6;
	s28 =	sadd.s32 s5, s10  }
0xc: {  	s5 =	sadd.s32 $0xAC00, s6;
	s10 =	sshrl.u32 s29, $0x2;
	s13 =	ssub.s32 s30, s31  }
0xd: {  	s11 =	sadd.s32 s28, s6;
	s14 =	sadd.s32 s10, s2;
	s6 =	sor.u32 $0x1C02, s12  }
0xe: {  	s8 =	sadd.s32 $0x6BC00, s9;
	s9 =	sadd.s32 $0x5BC00, s9;
	s15 =	sadd.s32 $0x4000, s14  }
0xf: {  	s16 =	sadd.s32 $0x8000, s14;
	s17 =	sadd.s32 $0xC000, s14;
	s18 =	sadd.s32 $0x10000, s14  }
0x10: {  	s10 =	sadd.s32 $0x7BC00, s11;
	s11 =	smax.u32 s13, $0x1;
	s12 =	sshrl.u32 s14, $0x3  }
0x11: {  	s13 =	simm.s32 $0x2;
	s14 =	sshrl.u32 s15, $0x3;
	s15 =	sshrl.u32 s16, $0x3  }
0x12: {  	s16 =	sshrl.u32 s17, $0x3;
	s17 =	sshrl.u32 s18, $0x3;
	s18 =	simm.s32 $0x80  }
.LBB2_1:
0x13: {  	[spmem:s12], [sflag:s6] =	dma.local [hbm:s5], $0x800  }
0x14: {  	_ =	swait.ge [sflag:s13], $0x800  }
0x15: {  	[sflag:s13] =	ssyncset.done $0x0  }
0x16: {  	[sflag:s13] =	ssyncadd.s32 $0xFFFFF800  }
0x17: {  	[spmem:s14], [sflag:s6] =	dma.local [hbm:s5], $0x800  }
0x18: {  	_ =	swait.ge [sflag:s13], $0x800  }
0x19: {  	[sflag:s13] =	ssyncset.done $0x0  }
0x1a: {  	[sflag:s13] =	ssyncadd.s32 $0xFFFFF800  }
0x1b: {  	[spmem:s15], [sflag:s6] =	dma.local [hbm:s5], $0x800  }
0x1c: {  	_ =	swait.ge [sflag:s13], $0x800  }
0x1d: {  	[sflag:s13] =	ssyncset.done $0x0  }
0x1e: {  	[sflag:s13] =	ssyncadd.s32 $0xFFFFF800  }
0x1f: {  	[spmem:s16], [sflag:s6] =	dma.local [hbm:s5], $0x800  }
0x20: {  	_ =	swait.ge [sflag:s13], $0x800  }
0x21: {  	[sflag:s13] =	ssyncset.done $0x0  }
0x22: {  	[sflag:s13] =	ssyncadd.s32 $0xFFFFF800  }
0x23: {  	[spmem:s17], [sflag:s6] =	dma.local [hbm:s5], $0x800  }
0x24: {  	_ =	swait.ge [sflag:s13], $0x800  }
0x25: {  	[sflag:s13] =	ssyncset.done $0x0  }
0x26: {  	[sflag:s13] =	ssyncadd.s32 $0xFFFFF800  }
0x27: {  	[tilespmem:s3], [sflag:$0x2] =	stream.linear.gather [hbm4b:s8+s3], $0x3F80, $0x38;
	v63 =	vld [tilespmem:$0x0]  }
0x28: {  	_ =	swait.ge [sflag:s13], $0x3F80  }
0x29: {  	[sflag:s13] =	ssyncset.done $0x0  }
0x2a: {  	s22 =	simm.s32 $0x4000;
	[sflag:s13] =	ssyncadd.s32 $0xFFFFC080  }
0x2b: {  	[tilespmem:s22], [sflag:$0x2] =	stream.linear.gather [hbm4b:s9+s3], $0x3F80, $0x38;
	v63 =	vld [tilespmem:$0x0]  }
0x2c: {  	_ =	swait.ge [sflag:s13], $0x3F80  }
0x2d: {  	[sflag:s13] =	ssyncset.done $0x0  }
0x2e: {  	[sflag:s13] =	ssyncadd.s32 $0xFFFFC080  }
0x2f: {  	[bflag:$0x0] =	sbarrier.arrive $0xFFFF  }
0x30: {  	[tilespmem:s19], [sflag:$0x1] =	stream.indirect.gather [hbm4b:s4+s18], $0x80, s3, s18, $0xb8;
	v63 =	vld [tilespmem:$0x0]  }
0x31: {  	p0 =	sne.s32 s7, $0x1;
	_ =	swait.ge [sflag:s20], $0x4000  }
.Ltmp0:
0x32: {  	[sflag:s20] =	ssyncset.done $0x0;
	(pc) =	sbr.rel @!p0 .LBB2_3-.Ltmp0, $4  }
0x33: {  	[sflag:s20] =	ssyncadd.s32 $0xFFFFC000  }
0x34: {  	[spmem:s2] =	stream.indirect.scatter.add.f32 [tilespmem:s19], [sflag:$0x2], $0x80, s22, s18, $0xb8;
	v63 =	vld [tilespmem:$0x0]  }
0x35: {  	_ =	swait.ge [sflag:s13], $0x4000  }
0x36: {  	s23 =	sadd.s32 $0xFFFFFFFF, s7;
	s24 =	simm.s32 $0x0;
	[sflag:s13] =	ssyncset.done $0x0  }
.LBB2_2:
0x37: {  	[sflag:s13] =	ssyncadd.s32 $0xFFFFC000;
	s24 =	sadd.s32 $0x80, s24;
	s22 =	sadd.s32 $0x80, s22  }
0x38: {  	[tilespmem:s19], [sflag:$0x1] =	stream.indirect.gather [hbm4b:s4+s18], $0x80, s24, s18, $0xb8;
	v63 =	vld [tilespmem:$0x0]  }
0x39: {  	p0 =	sne.s32 s23, $0x1;
	s23 =	sadd.s32 $0xFFFFFFFF, s23;
	_ =	swait.ge [sflag:s20], $0x4000  }
.Ltmp1:
0x3a: {  	[sflag:s20] =	ssyncset.done $0x0;
	(pc) =	sbr.rel @p0 .LBB2_2-.Ltmp1, $4  }
0x3b: {  	[sflag:s20] =	ssyncadd.s32 $0xFFFFC000  }
0x3c: {  	[spmem:s2] =	stream.indirect.scatter.add.f32 [tilespmem:s19], [sflag:$0x2], $0x80, s22, s18, $0xb8;
	v63 =	vld [tilespmem:$0x0]  }
0x3d: {  	_ =	swait.ge [sflag:s13], $0x4000  }
0x3e: {  	[sflag:s13] =	ssyncset.done $0x0  }
.LBB2_3:
0x3f: {  	s21 =	sadd.s32 $0x1, s21  }
0x40: {  	[sflag:s13] =	ssyncadd.s32 $0xFFFFC000;
	p0 =	sne.s32 s21, s11  }
.Ltmp2:
0x41: {  	[bflag:$0x0] =	sbarrier.arrive $0xFFFF;
	(pc) =	sbr.rel @p0 .LBB2_1-.Ltmp2, $4  }
0x42: {  	[hbm:s10], [sflag:s6] =	dma.local [spmem:s12], $0x2800  }
0x43: {  	_ =	swait.ge [sflag:s13], $0x2800  }
0x44: {  	[sflag:s13] =	ssyncset.done $0x0  }
0x45: {  	[sflag:s13] =	ssyncadd.s32 $0xFFFFD800  }
0x46: {  	_ =	sfence.sel $0x180000  }
0x47: {  	[bflag:$0x0] =	sbarrier.arrive $0xFFFF  }
0x48: {  	p0 =	sne.s32 s1, $0x0;
	_ =	strace $0x9000004A  }
0x49: {  	s0 =	sadd.s32 @!p0 $0x100000, s0;
	[bflag:$0x2] =	sbarrier.arrive $0xFFFF  }
0x4a: {  	[sflag:s0] =	ssyncadd.tile.s32 @!p0 $0x1;
	_ =	shalt  }
.Lfunc_end2:
_tile_overlayer_lowered:
.L_overlay_start_2:
0x4b: {  	(tag) =	ssettag $0x2  }
0x4c: {  	s0 =	rddreg [dreg:$0x0];
	s2 =	stileid.u32  }
0x4d: {  	s1 =	rddreg [dreg:$0x1];
	p0 =	sne.s32 s2, $0x0  }
0x4e: {  	s3 =	rddreg [dreg:$0x2];
	[bflag:$0x3] =	sbarrier.arrive $0xFFFF;
	s2 =	simm.s32 @!p0 $0x1C02  }
0x4f: {  	[timem:s3], [sflag:s2] =	dma.local @!p0 [hbm:s0], s1  }
0x50: {  	s0 =	simm.s32 @!p0 $0x2  }
0x51: {  	_ =	swait.ge @!p0 [sflag:s0], s1  }
0x52: {  	s1 =	ssub.s32 @!p0 $0x0, s1;
	[sflag:s0] =	ssyncset.done @!p0 $0x0  }
0x53: {  	[sflag:s0] =	ssyncadd.s32 @!p0 s1  }
0x54: {  	[bflag:$0x3] =	sbarrier.arrive $0xFFFF  }
0x55: {  	_ =	shalt  }

// kernel: kernel.14.cloned.1.call-start
scs
__scs_entry_jumppad:
0x0: {  	(pc) =	sbr.rel $0x88, $3  }
0x1: {  	(tag) =	ssettag $0x0;
	lr =	simm.s32 $0x1  }
0x2: {  	[smem:$0x3F99] =	sst lr;
	_ =	strace $0xD0000000  }
0x3: {  	_ = 	snop  }
0x4: {  	_ = 	snop  }
0x5: {  	_ = 	snop  }
0x6: {  	_ = 	snop  }
0x7: {  	_ = 	snop  }
__scs_overlays_trampoline_lowered:
0x8: {  	[smem:$0x3FA8] =	sst s0  }
0x9: {  	[smem:$0x3FA9] =	sst s1  }
0xa: {  	[smem:$0x3FAA] =	sst s2  }
0xb: {  	[smem:$0x3FAB] =	sst s3  }
0xc: {  	[smem:$0x3FAC] =	sst s4  }
0xd: {  	[smem:$0x3FAD] =	sst s5  }
0xe: {  	[smem:$0x3FAE] =	sst s6  }
0xf: {  	[smem:$0x3FAF] =	sst s7  }
0x10: {  	[smem:$0x3FB0] =	sst s8  }
0x11: {  	[smem:$0x3FB1] =	sst s9;
	s0 =	simm.s32 @!p0 $0x0  }
0x12: {  	s1 =	sld [smem:$0x3F97];
	s0 =	simm.s32 @p0 $0x1  }
0x13: {  	[smem:$0x3FB2] =	sst s0;
	s0 =	simm.s32 @!p1 $0x0  }
0x14: {  	s2 =	sld [smem:$0x3F96];
	s0 =	simm.s32 @p1 $0x1  }
0x15: {  	[smem:$0x3FB3] =	sst s0;
	s0 =	simm.s32 @!p2 $0x0  }
0x16: {  	s3 =	sld [smem:$0x3FDB];
	s0 =	simm.s32 @p2 $0x1  }
0x17: {  	s4 =	simm.s32 $0x1BF5;
	[smem:$0x3FB5] =	sst s0  }
0x18: {  	s0 =	sld [smem:$0x3F98];
	_ =	swait.ge [sflag:s4], $0x0  }
0x19: {  	s7 =	sld [smem:$0x3F99]  }
0x1a: {  	s8 =	sadd.s32 $0xFFFFE003, lr  }
0x1b: {  	s9 =	sadd.s32 $0xFFFFFEF7, lr;
	s5 =	simm.s32 $0xFFFFFFFF;
	p2 =	slt.u32 s8, $0xFFFFF086  }
0x1c: {  	p1 =	slt.u32 s9, $0xF7A;
	s5 =	simm.s32 @!p2 $0x0  }
0x1d: {  	s5 =	simm.s32 @p1 $0x1;
	p0 =	seq.s32 s7, s2  }
0x1e: {  	s7 =	smul.u32 @!p0 $0xF7A, s2;
	p2 =	seq.s32 @!p0 s5, $0x0  }
0x1f: {  	s9 =	smul.u32 $0xF7A, s1;
	s8 =	simm.s32 @!p0 $0x1BF5;
	p2 =	por !p2, p0  }
0x20: {  	[sflag:s8] =	ssyncset.s32 @!p0 $0xFFFFF086;
	s6 =	sadd.s32 @!p0 s3, s7;
	s7 =	simm.s32 @!p0 $0x108  }
0x21: {  	s3 =	sadd.s32 s3, s9;
	s6 =	sadd.s32 @!p0 $0x88, s6;
	s7 =	simm.s32 @p2 $0x1082  }
0x22: {  	[simem:s7], [sflag:s8] =	dma.local @!p0 [hbm:s6], $0xF7A  }
0x23: {  	s9 =	sor.u32 $0xD0000000, s2;
	s6 =	simm.s32 $0x108;
	_ =	swait.ge @!p0 [sflag:s8], $0x0  }
0x24: {  	s3 =	sadd.s32 $0x88, s3;
	s6 =	simm.s32 @!p1 $0x1082;
	[sflag:s4] =	ssyncset.s32 $0xFFFFF086  }
0x25: {  	[simem:s6], [sflag:s4] =	dma.local [hbm:s3], $0xF7A  }
0x26: {  	[smem:$0x3F99] =	sst s1;
	(tag) =	ssettag s2;
	_ =	strace s9  }
0x27: {  	s1 =	sld [smem:$0x3FA9]  }
0x28: {  	s2 =	sld [smem:$0x3FAA]  }
0x29: {  	s4 =	sld [smem:$0x3FAC]  }
0x2a: {  	p0 =	seq.s32 s5, $0x0;
	s5 =	sld [smem:$0x3FAD]  }
0x2b: {  	s6 =	sld [smem:$0x3FAE]  }
0x2c: {  	s7 =	sld [smem:$0x3FAF]  }
0x2d: {  	s3 =	simm.s32 $0x108;
	s8 =	sld [smem:$0x3FB0]  }
0x2e: {  	s3 =	simm.s32 @!p0 $0x1082;
	s9 =	sld [smem:$0x3FB1]  }
0x2f: {  	lr =	sadd.s32 s0, s3;
	s0 =	sld [smem:$0x3FA8]  }
0x30: {  	s3 =	sld [smem:$0x3FAB]  }
0x31: {  	[smem:$0x3FB4] =	sst s10  }
0x32: {  	s10 =	sld [smem:$0x3FB2];
	_ =	sdelay $0x3  }
0x33: {  	p0 =	seq.s32 s10, $0x1;
	s10 =	sld [smem:$0x3FB4];
	_ =	sdelay $0x3  }
0x34: {  	[smem:$0x3FB4] =	sst s10  }
0x35: {  	s10 =	sld [smem:$0x3FB3];
	_ =	sdelay $0x3  }
0x36: {  	p1 =	seq.s32 s10, $0x1;
	s10 =	sld [smem:$0x3FB4];
	_ =	sdelay $0x3  }
0x37: {  	[smem:$0x3FB4] =	sst s10  }
0x38: {  	s10 =	sld [smem:$0x3FB5]  }
0x39: {  	_ = 	snop;
	(pc) =	sbr.ind lr, $3  }
0x3a: {  	_ = 	snop  }
0x3b: {  	_ = 	snop  }
0x3c: {  	p2 =	seq.s32 s10, $0x1;
	s10 =	sld [smem:$0x3FB4]  }
0x3d: {  	_ =	shalt  }
0x3e: {  	_ =	shalt  }
0x3f: {  	_ =	shalt  }
0x40: {  	_ =	shalt  }
0x41: {  	_ =	shalt  }
0x42: {  	_ =	shalt  }
0x43: {  	_ =	shalt  }
0x44: {  	_ =	shalt  }
0x45: {  	_ =	shalt  }
0x46: {  	_ =	shalt  }
0x47: {  	_ =	shalt  }
0x48: {  	_ =	shalt  }
0x49: {  	_ =	shalt  }
0x4a: {  	_ =	shalt  }
0x4b: {  	_ =	shalt  }
0x4c: {  	_ =	shalt  }
0x4d: {  	_ =	shalt  }
0x4e: {  	_ =	shalt  }
0x4f: {  	_ =	shalt  }
0x50: {  	_ =	shalt  }
0x51: {  	_ =	shalt  }
0x52: {  	_ =	shalt  }
0x53: {  	_ =	shalt  }
0x54: {  	_ =	shalt  }
0x55: {  	_ =	shalt  }
0x56: {  	_ =	shalt  }
0x57: {  	_ =	shalt  }
0x58: {  	_ =	shalt  }
0x59: {  	_ =	shalt  }
0x5a: {  	_ =	shalt  }
0x5b: {  	_ =	shalt  }
0x5c: {  	_ =	shalt  }
0x5d: {  	_ =	shalt  }
0x5e: {  	_ =	shalt  }
0x5f: {  	_ =	shalt  }
0x60: {  	_ =	shalt  }
0x61: {  	_ =	shalt  }
0x62: {  	_ =	shalt  }
0x63: {  	_ =	shalt  }
0x64: {  	_ =	shalt  }
0x65: {  	_ =	shalt  }
0x66: {  	_ =	shalt  }
0x67: {  	_ =	shalt  }
0x68: {  	_ =	shalt  }
0x69: {  	_ =	shalt  }
0x6a: {  	_ =	shalt  }
0x6b: {  	_ =	shalt  }
0x6c: {  	_ =	shalt  }
0x6d: {  	_ =	shalt  }
0x6e: {  	_ =	shalt  }
0x6f: {  	_ =	shalt  }
0x70: {  	_ =	shalt  }
0x71: {  	_ =	shalt  }
0x72: {  	_ =	shalt  }
0x73: {  	_ =	shalt  }
0x74: {  	_ =	shalt  }
0x75: {  	_ =	shalt  }
0x76: {  	_ =	shalt  }
0x77: {  	_ =	shalt  }
0x78: {  	_ =	shalt  }
0x79: {  	_ =	shalt  }
0x7a: {  	_ =	shalt  }
0x7b: {  	_ =	shalt  }
0x7c: {  	_ =	shalt  }
0x7d: {  	_ =	shalt  }
0x7e: {  	_ =	shalt  }
0x7f: {  	_ =	shalt  }
0x80: {  	_ =	shalt  }
0x81: {  	_ =	shalt  }
0x82: {  	_ =	shalt  }
0x83: {  	_ =	shalt  }
0x84: {  	_ =	shalt  }
0x85: {  	_ =	shalt  }
0x86: {  	_ =	shalt  }
0x87: {  	_ =	shalt  }
.Lfunc_end0:
.L_simem_size_0:
called_computation.2_lowered:
.L_overlay_start_0:
0x88: {  	s2 =	sld [smem:$0x3FD9]  }
0x89: {  	s3 =	sld [smem:$0x3FFE];
	_ =	sdelay $0x1  }
0x8a: {  	s1 =	srdreg.scid  }
0x8b: {  	s0 =	sand.u32 $0x1, s1  }
0x8c: {  	s16 =	sshll.u32 s0, $0xA;
	s2 =	sadd.s32 s3, s2  }
0x8d: {  	s2 =	sadd.s32 s2, s16  }
0x8e: {  	[smem:$0x3FC0] =	sst s2  }
0x8f: {  	_ = 	snop  }
0x90: {  	(tm) =	ssettm $0x1  }
0x91: {  	s17 =	sld [smem:$0x3FFB];
	_ =	sdelay $0x3  }
0x92: {  	_ =	strace s17  }
0x93: {  	s2 =	sld [smem:$0x3FFC];
	_ =	sdelay $0x3  }
0x94: {  	_ =	strace s2  }
0x95: {  	s2 =	sld [smem:$0x3FFD];
	_ =	sdelay $0x3  }
0x96: {  	_ =	strace s2  }
0x97: {  	_ =	strace $0x8FFFFFFF  }
0x98: {  	s18 =	sld [smem:$0x3FDB];
	_ =	sdelay $0x1  }
0x99: {  	s19 =	simm.s32 $_scs_section_size  }
0x9a: {  	s4 =	simm.s32 $_size__tile_overlayer_lowered;
	s5 =	simm.s32 $_tile_overlayer_lowered  }
0x9b: {  	s22 =	simm.s32 $0x1BFF;
	s21 =	sshll.u32 s5, $0x1;
	s2 =	sadd.s32 s19, s18  }
0x9c: {  	s6 =	simm.s32 $0x0;
	s20 =	sshll.u32 s4, $0x1;
	s4 =	sadd.s32 s21, s2  }
0x9d: {  	[timem:s6], [sflag:s22] =	dma.local [hbm:s4], s20  }
0x9e: {  	_ =	swait.ge [sflag:s22], s20  }
0x9f: {  	s3 =	ssub.s32 $0x0, s20;
	[sflag:s22] =	ssyncset.done $0x0  }
0xa0: {  	[sflag:s22] =	ssyncadd.s32 s3;
	_ =	sdelay $0x1  }
0xa1: {  	s23 =	simm.s32 $0x1B8B  }
0xa2: {  	_ =	swait.ge [sflag:s23], $0x1  }
0xa3: {  	[sflag:s23] =	ssyncset.done $0x0  }
0xa4: {  	s25 =	simm.s32 $0x1B8E;
	s24 =	sld [smem:$0x3FFE];
	[sflag:s23] =	ssyncadd.s32 $0xFFFFFFFF  }
0xa5: {  	s26 =	simm.s32 $execute0_lowered;
	[smem:$0x3FD2] =	sst s25  }
0xa6: {  	s4 =	sshll.u32 s26, $0x1;
	_ =	strace $0x8000004C;
	[dreg:$0x1] =	wrdreg $0xFFFFFFFF  }
0xa7: {  	s28 =	simm.s32 $_size_execute0_lowered;
	s2 =	sadd.s32 s2, s4;
	[dreg:$0x0] =	wrdreg $0x0  }
0xa8: {  	s4 =	sshll.u32 s28, $0x1;
	[dreg:$0x2] =	wrdreg s2  }
0xa9: {  	[dreg:$0x3] =	wrdreg s4  }
0xaa: {  	[dreg:$0x4] =	wrdreg $0xC0  }
0xab: {  	_ =	task [dreg:s6], $0x5FFFF  }
0xac: {  	[dreg:$0x1] =	wrdreg $0xFFFFFFFF  }
0xad: {  	[dreg:$0x0] =	wrdreg $0x60  }
0xae: {  	[dreg:$0x2] =	wrdreg s24  }
0xaf: {  	[dreg:$0x3] =	wrdreg $0xC0000  }
0xb0: {  	[dreg:$0x4] =	wrdreg $0x9  }
0xb1: {  	_ =	task.clear_ibuf [dreg:s6], $0x5FFFF;
	_ =	strace $0x9000004C  }
0xb2: {  	s29 =	simm.s32 $0x9;
	_ =	strace $0x8000004E  }
0xb3: {  	_ =	swait.ge [sflag:s29], $0x1  }
0xb4: {  	[sflag:s29] =	ssyncadd.s32 $0xFFFFFFFF  }
0xb5: {  	_ =	strace $0x9000004E  }
0xb6: {  	_ =	sfence  }
0xb7: {  	s30 =	sld [smem:$0x0];
	_ =	sdelay $0x2  }
0xb8: {  	s31 =	sshll.u32 s1, $0xD;
	s1 =	sshrl.u32 s1, $0x2  }
0xb9: {  	s3 =	sand.u32 $0x4000, s31;
	s1 =	sadd.s32 s1, s30  }
0xba: {  	s0 =	sor.u32 s3, s0;
	s1 =	sshll.u32 s1, $0x11  }
0xbb: {  	s0 =	sor.u32 s1, s0  }
0xbc: {  	s0 =	sadd.s32 $0x8F2B, s0  }
0xbd: {  	[sflag:s0] =	ssyncadd.remote.s32 $0x1  }
0xbe: {  	_ =	sfence.sel $0xFFFF  }
0xbf: {  	[dreg:$0x0] =	wrdreg $0xFFFFFFFF;
	(pc) =	sbr.abs _section_cstart, $3  }
0xc0: {  	[dreg:$0x1] =	wrdreg $0xFFFFFFFF  }
0xc1: {  	_ =	task.clear_ibuf [dreg:s6], $0x2FFFF;
	_ =	strace $0x9FFFFFFF  }
0xc2: {  	(tm) =	ssettm $0x7FFFFFFF  }
0xc3: {  	_ =	shalt  }
tec
execute0_lowered:
.L_overlay_start_1:
0x0: {  	(tag) =	ssettag $0x1  }
0x1: {  	s6 =	rddreg [dreg:$0x0]  }
0x2: {  	s2 =	rddreg [dreg:$0x1]  }
0x3: {  	s0 =	rddreg [dreg:$0x2]  }
0x4: {  	s3 =	simm.s32 $0x0;
	s4 =	srdreg.scid;
	s1 =	stileid.u32  }
0x5: {  	s19 =	simm.s32 $0x8000;
	s20 =	simm.s32 $0x1;
	s21 =	simm.s32 $0x0  }
0x6: {  	[smem:$0x7FF] =	sst s3;
	s7 =	sand.u32 $0x1, s4;
	s5 =	smul.u32 $0x2800, s1  }
0x7: {  	s9 =	sshll.u32 s1, $0xB;
	s4 =	sadd.s32 $0xB400, s6;
	s29 =	smul.u32 $0x50000, s1  }
0x8: {  	s12 =	sshll.u32 s1, $0x6;
	s8 =	sshll.u32 s7, $0xF;
	s10 =	smul.u32 $0x28000, s7  }
0x9: {  	_ =	strace $0x8000004D;
	s30 =	ssub.s32 $0x2, s7;
	p0 =	seq.s32 s7, $0x0  }
0xa: {  	s7 =	simm.s32 $0x7F;
	s8 =	sor.u32 s9, s8;
	s31 =	sshrl.u32 s30, $0x1  }
0xb: {  	s7 =	simm.s32 @!p0 $0x21;
	s9 =	sadd.s32 s8, s6;
	s28 =	sadd.s32 s5, s10  }
0xc: {  	s5 =	sadd.s32 $0xAC00, s6;
	s10 =	sshrl.u32 s29, $0x2;
	s13 =	ssub.s32 s30, s31  }
0xd: {  	s11 =	sadd.s32 s28, s6;
	s14 =	sadd.s32 s10, s2;
	s6 =	sor.u32 $0x1C02, s12  }
0xe: {  	s8 =	sadd.s32 $0x6BC00, s9;
	s9 =	sadd.s32 $0x5BC00, s9;
	s15 =	sadd.s32 $0x4000, s14  }
0xf: {  	s16 =	sadd.s32 $0x8000, s14;
	s17 =	sadd.s32 $0xC000, s14;
	s18 =	sadd.s32 $0x10000, s14  }
0x10: {  	s10 =	sadd.s32 $0x7BC00, s11;
	s11 =	smax.u32 s13, $0x1;
	s12 =	sshrl.u32 s14, $0x3  }
0x11: {  	s13 =	simm.s32 $0x2;
	s14 =	sshrl.u32 s15, $0x3;
	s15 =	sshrl.u32 s16, $0x3  }
0x12: {  	s16 =	sshrl.u32 s17, $0x3;
	s17 =	sshrl.u32 s18, $0x3;
	s18 =	simm.s32 $0x80  }
.LBB2_1:
0x13: {  	[spmem:s12], [sflag:s6] =	dma.local [hbm:s5], $0x800  }
0x14: {  	_ =	swait.ge [sflag:s13], $0x800  }
0x15: {  	[sflag:s13] =	ssyncset.done $0x0  }
0x16: {  	[sflag:s13] =	ssyncadd.s32 $0xFFFFF800  }
0x17: {  	[spmem:s14], [sflag:s6] =	dma.local [hbm:s5], $0x800  }
0x18: {  	_ =	swait.ge [sflag:s13], $0x800  }
0x19: {  	[sflag:s13] =	ssyncset.done $0x0  }
0x1a: {  	[sflag:s13] =	ssyncadd.s32 $0xFFFFF800  }
0x1b: {  	[spmem:s15], [sflag:s6] =	dma.local [hbm:s5], $0x800  }
0x1c: {  	_ =	swait.ge [sflag:s13], $0x800  }
0x1d: {  	[sflag:s13] =	ssyncset.done $0x0  }
0x1e: {  	[sflag:s13] =	ssyncadd.s32 $0xFFFFF800  }
0x1f: {  	[spmem:s16], [sflag:s6] =	dma.local [hbm:s5], $0x800  }
0x20: {  	_ =	swait.ge [sflag:s13], $0x800  }
0x21: {  	[sflag:s13] =	ssyncset.done $0x0  }
0x22: {  	[sflag:s13] =	ssyncadd.s32 $0xFFFFF800  }
0x23: {  	[spmem:s17], [sflag:s6] =	dma.local [hbm:s5], $0x800  }
0x24: {  	_ =	swait.ge [sflag:s13], $0x800  }
0x25: {  	[sflag:s13] =	ssyncset.done $0x0  }
0x26: {  	[sflag:s13] =	ssyncadd.s32 $0xFFFFF800  }
0x27: {  	[tilespmem:s3], [sflag:$0x2] =	stream.linear.gather [hbm4b:s8+s3], $0x3F80, $0x38;
	v63 =	vld [tilespmem:$0x0]  }
0x28: {  	_ =	swait.ge [sflag:s13], $0x3F80  }
0x29: {  	[sflag:s13] =	ssyncset.done $0x0  }
0x2a: {  	s22 =	simm.s32 $0x4000;
	[sflag:s13] =	ssyncadd.s32 $0xFFFFC080  }
0x2b: {  	[tilespmem:s22], [sflag:$0x2] =	stream.linear.gather [hbm4b:s9+s3], $0x3F80, $0x38;
	v63 =	vld [tilespmem:$0x0]  }
0x2c: {  	_ =	swait.ge [sflag:s13], $0x3F80  }
0x2d: {  	[sflag:s13] =	ssyncset.done $0x0  }
0x2e: {  	[sflag:s13] =	ssyncadd.s32 $0xFFFFC080  }
0x2f: {  	[bflag:$0x0] =	sbarrier.arrive $0xFFFF  }
0x30: {  	[tilespmem:s19], [sflag:$0x1] =	stream.indirect.gather [hbm4b:s4+s18], $0x80, s3, s18, $0xb8;
	v63 =	vld [tilespmem:$0x0]  }
0x31: {  	p0 =	sne.s32 s7, $0x1;
	_ =	swait.ge [sflag:s20], $0x4000  }
.Ltmp0:
0x32: {  	[sflag:s20] =	ssyncset.done $0x0;
	(pc) =	sbr.rel @!p0 .LBB2_3-.Ltmp0, $4  }
0x33: {  	[sflag:s20] =	ssyncadd.s32 $0xFFFFC000  }
0x34: {  	[spmem:s2] =	stream.indirect.scatter.add.f32 [tilespmem:s19], [sflag:$0x2], $0x80, s22, s18, $0xb8;
	v63 =	vld [tilespmem:$0x0]  }
0x35: {  	_ =	swait.ge [sflag:s13], $0x4000  }
0x36: {  	s23 =	sadd.s32 $0xFFFFFFFF, s7;
	s24 =	simm.s32 $0x0;
	[sflag:s13] =	ssyncset.done $0x0  }
.LBB2_2:
0x37: {  	[sflag:s13] =	ssyncadd.s32 $0xFFFFC000;
	s24 =	sadd.s32 $0x80, s24;
	s22 =	sadd.s32 $0x80, s22  }
0x38: {  	[tilespmem:s19], [sflag:$0x1] =	stream.indirect.gather [hbm4b:s4+s18], $0x80, s24, s18, $0xb8;
	v63 =	vld [tilespmem:$0x0]  }
0x39: {  	p0 =	sne.s32 s23, $0x1;
	s23 =	sadd.s32 $0xFFFFFFFF, s23;
	_ =	swait.ge [sflag:s20], $0x4000  }
.Ltmp1:
0x3a: {  	[sflag:s20] =	ssyncset.done $0x0;
	(pc) =	sbr.rel @p0 .LBB2_2-.Ltmp1, $4  }
0x3b: {  	[sflag:s20] =	ssyncadd.s32 $0xFFFFC000  }
0x3c: {  	[spmem:s2] =	stream.indirect.scatter.add.f32 [tilespmem:s19], [sflag:$0x2], $0x80, s22, s18, $0xb8;
	v63 =	vld [tilespmem:$0x0]  }
0x3d: {  	_ =	swait.ge [sflag:s13], $0x4000  }
0x3e: {  	[sflag:s13] =	ssyncset.done $0x0  }
.LBB2_3:
0x3f: {  	s21 =	sadd.s32 $0x1, s21  }
0x40: {  	[sflag:s13] =	ssyncadd.s32 $0xFFFFC000;
	p0 =	sne.s32 s21, s11  }
.Ltmp2:
0x41: {  	[bflag:$0x0] =	sbarrier.arrive $0xFFFF;
	(pc) =	sbr.rel @p0 .LBB2_1-.Ltmp2, $4  }
0x42: {  	[hbm:s10], [sflag:s6] =	dma.local [spmem:s12], $0x2800  }
0x43: {  	_ =	swait.ge [sflag:s13], $0x2800  }
0x44: {  	[sflag:s13] =	ssyncset.done $0x0  }
0x45: {  	[sflag:s13] =	ssyncadd.s32 $0xFFFFD800  }
0x46: {  	_ =	sfence.sel $0x180000  }
0x47: {  	[bflag:$0x0] =	sbarrier.arrive $0xFFFF  }
0x48: {  	p0 =	sne.s32 s1, $0x0;
	_ =	strace $0x9000004D  }
0x49: {  	s0 =	sadd.s32 @!p0 $0x100000, s0;
	[bflag:$0x2] =	sbarrier.arrive $0xFFFF  }
0x4a: {  	[sflag:s0] =	ssyncadd.tile.s32 @!p0 $0x1;
	_ =	shalt  }
.Lfunc_end2:
_tile_overlayer_lowered:
.L_overlay_start_2:
0x4b: {  	(tag) =	ssettag $0x2  }
0x4c: {  	s0 =	rddreg [dreg:$0x0];
	s2 =	stileid.u32  }
0x4d: {  	s1 =	rddreg [dreg:$0x1];
	p0 =	sne.s32 s2, $0x0  }
0x4e: {  	s3 =	rddreg [dreg:$0x2];
	[bflag:$0x3] =	sbarrier.arrive $0xFFFF;
	s2 =	simm.s32 @!p0 $0x1C02  }
0x4f: {  	[timem:s3], [sflag:s2] =	dma.local @!p0 [hbm:s0], s1  }
0x50: {  	s0 =	simm.s32 @!p0 $0x2  }
0x51: {  	_ =	swait.ge @!p0 [sflag:s0], s1  }
0x52: {  	s1 =	ssub.s32 @!p0 $0x0, s1;
	[sflag:s0] =	ssyncset.done @!p0 $0x0  }
0x53: {  	[sflag:s0] =	ssyncadd.s32 @!p0 s1  }
0x54: {  	[bflag:$0x3] =	sbarrier.arrive $0xFFFF  }
0x55: {  	_ =	shalt  }

// kernel: kernel.8.cloned.1.call-start
scs
__scs_entry_jumppad:
0x0: {  	(pc) =	sbr.rel $0x88, $3  }
0x1: {  	(tag) =	ssettag $0x0;
	lr =	simm.s32 $0x1  }
0x2: {  	[smem:$0x3F99] =	sst lr;
	_ =	strace $0xD0000000  }
0x3: {  	_ = 	snop  }
0x4: {  	_ = 	snop  }
0x5: {  	_ = 	snop  }
0x6: {  	_ = 	snop  }
0x7: {  	_ = 	snop  }
__scs_overlays_trampoline_lowered:
0x8: {  	[smem:$0x3FA8] =	sst s0  }
0x9: {  	[smem:$0x3FA9] =	sst s1  }
0xa: {  	[smem:$0x3FAA] =	sst s2  }
0xb: {  	[smem:$0x3FAB] =	sst s3  }
0xc: {  	[smem:$0x3FAC] =	sst s4  }
0xd: {  	[smem:$0x3FAD] =	sst s5  }
0xe: {  	[smem:$0x3FAE] =	sst s6  }
0xf: {  	[smem:$0x3FAF] =	sst s7  }
0x10: {  	[smem:$0x3FB0] =	sst s8  }
0x11: {  	[smem:$0x3FB1] =	sst s9;
	s0 =	simm.s32 @!p0 $0x0  }
0x12: {  	s1 =	sld [smem:$0x3F97];
	s0 =	simm.s32 @p0 $0x1  }
0x13: {  	[smem:$0x3FB2] =	sst s0;
	s0 =	simm.s32 @!p1 $0x0  }
0x14: {  	s2 =	sld [smem:$0x3F96];
	s0 =	simm.s32 @p1 $0x1  }
0x15: {  	[smem:$0x3FB3] =	sst s0;
	s0 =	simm.s32 @!p2 $0x0  }
0x16: {  	s3 =	sld [smem:$0x3FDB];
	s0 =	simm.s32 @p2 $0x1  }
0x17: {  	s4 =	simm.s32 $0x1BF5;
	[smem:$0x3FB5] =	sst s0  }
0x18: {  	s0 =	sld [smem:$0x3F98];
	_ =	swait.ge [sflag:s4], $0x0  }
0x19: {  	s7 =	sld [smem:$0x3F99]  }
0x1a: {  	s8 =	sadd.s32 $0xFFFFE003, lr  }
0x1b: {  	s9 =	sadd.s32 $0xFFFFFEF7, lr;
	s5 =	simm.s32 $0xFFFFFFFF;
	p2 =	slt.u32 s8, $0xFFFFF086  }
0x1c: {  	p1 =	slt.u32 s9, $0xF7A;
	s5 =	simm.s32 @!p2 $0x0  }
0x1d: {  	s5 =	simm.s32 @p1 $0x1;
	p0 =	seq.s32 s7, s2  }
0x1e: {  	s7 =	smul.u32 @!p0 $0xF7A, s2;
	p2 =	seq.s32 @!p0 s5, $0x0  }
0x1f: {  	s9 =	smul.u32 $0xF7A, s1;
	s8 =	simm.s32 @!p0 $0x1BF5;
	p2 =	por !p2, p0  }
0x20: {  	[sflag:s8] =	ssyncset.s32 @!p0 $0xFFFFF086;
	s6 =	sadd.s32 @!p0 s3, s7;
	s7 =	simm.s32 @!p0 $0x108  }
0x21: {  	s3 =	sadd.s32 s3, s9;
	s6 =	sadd.s32 @!p0 $0x88, s6;
	s7 =	simm.s32 @p2 $0x1082  }
0x22: {  	[simem:s7], [sflag:s8] =	dma.local @!p0 [hbm:s6], $0xF7A  }
0x23: {  	s9 =	sor.u32 $0xD0000000, s2;
	s6 =	simm.s32 $0x108;
	_ =	swait.ge @!p0 [sflag:s8], $0x0  }
0x24: {  	s3 =	sadd.s32 $0x88, s3;
	s6 =	simm.s32 @!p1 $0x1082;
	[sflag:s4] =	ssyncset.s32 $0xFFFFF086  }
0x25: {  	[simem:s6], [sflag:s4] =	dma.local [hbm:s3], $0xF7A  }
0x26: {  	[smem:$0x3F99] =	sst s1;
	(tag) =	ssettag s2;
	_ =	strace s9  }
0x27: {  	s1 =	sld [smem:$0x3FA9]  }
0x28: {  	s2 =	sld [smem:$0x3FAA]  }
0x29: {  	s4 =	sld [smem:$0x3FAC]  }
0x2a: {  	p0 =	seq.s32 s5, $0x0;
	s5 =	sld [smem:$0x3FAD]  }
0x2b: {  	s6 =	sld [smem:$0x3FAE]  }
0x2c: {  	s7 =	sld [smem:$0x3FAF]  }
0x2d: {  	s3 =	simm.s32 $0x108;
	s8 =	sld [smem:$0x3FB0]  }
0x2e: {  	s3 =	simm.s32 @!p0 $0x1082;
	s9 =	sld [smem:$0x3FB1]  }
0x2f: {  	lr =	sadd.s32 s0, s3;
	s0 =	sld [smem:$0x3FA8]  }
0x30: {  	s3 =	sld [smem:$0x3FAB]  }
0x31: {  	[smem:$0x3FB4] =	sst s10  }
0x32: {  	s10 =	sld [smem:$0x3FB2];
	_ =	sdelay $0x3  }
0x33: {  	p0 =	seq.s32 s10, $0x1;
	s10 =	sld [smem:$0x3FB4];
	_ =	sdelay $0x3  }
0x34: {  	[smem:$0x3FB4] =	sst s10  }
0x35: {  	s10 =	sld [smem:$0x3FB3];
	_ =	sdelay $0x3  }
0x36: {  	p1 =	seq.s32 s10, $0x1;
	s10 =	sld [smem:$0x3FB4];
	_ =	sdelay $0x3  }
0x37: {  	[smem:$0x3FB4] =	sst s10  }
0x38: {  	s10 =	sld [smem:$0x3FB5]  }
0x39: {  	_ = 	snop;
	(pc) =	sbr.ind lr, $3  }
0x3a: {  	_ = 	snop  }
0x3b: {  	_ = 	snop  }
0x3c: {  	p2 =	seq.s32 s10, $0x1;
	s10 =	sld [smem:$0x3FB4]  }
0x3d: {  	_ =	shalt  }
0x3e: {  	_ =	shalt  }
0x3f: {  	_ =	shalt  }
0x40: {  	_ =	shalt  }
0x41: {  	_ =	shalt  }
0x42: {  	_ =	shalt  }
0x43: {  	_ =	shalt  }
0x44: {  	_ =	shalt  }
0x45: {  	_ =	shalt  }
0x46: {  	_ =	shalt  }
0x47: {  	_ =	shalt  }
0x48: {  	_ =	shalt  }
0x49: {  	_ =	shalt  }
0x4a: {  	_ =	shalt  }
0x4b: {  	_ =	shalt  }
0x4c: {  	_ =	shalt  }
0x4d: {  	_ =	shalt  }
0x4e: {  	_ =	shalt  }
0x4f: {  	_ =	shalt  }
0x50: {  	_ =	shalt  }
0x51: {  	_ =	shalt  }
0x52: {  	_ =	shalt  }
0x53: {  	_ =	shalt  }
0x54: {  	_ =	shalt  }
0x55: {  	_ =	shalt  }
0x56: {  	_ =	shalt  }
0x57: {  	_ =	shalt  }
0x58: {  	_ =	shalt  }
0x59: {  	_ =	shalt  }
0x5a: {  	_ =	shalt  }
0x5b: {  	_ =	shalt  }
0x5c: {  	_ =	shalt  }
0x5d: {  	_ =	shalt  }
0x5e: {  	_ =	shalt  }
0x5f: {  	_ =	shalt  }
0x60: {  	_ =	shalt  }
0x61: {  	_ =	shalt  }
0x62: {  	_ =	shalt  }
0x63: {  	_ =	shalt  }
0x64: {  	_ =	shalt  }
0x65: {  	_ =	shalt  }
0x66: {  	_ =	shalt  }
0x67: {  	_ =	shalt  }
0x68: {  	_ =	shalt  }
0x69: {  	_ =	shalt  }
0x6a: {  	_ =	shalt  }
0x6b: {  	_ =	shalt  }
0x6c: {  	_ =	shalt  }
0x6d: {  	_ =	shalt  }
0x6e: {  	_ =	shalt  }
0x6f: {  	_ =	shalt  }
0x70: {  	_ =	shalt  }
0x71: {  	_ =	shalt  }
0x72: {  	_ =	shalt  }
0x73: {  	_ =	shalt  }
0x74: {  	_ =	shalt  }
0x75: {  	_ =	shalt  }
0x76: {  	_ =	shalt  }
0x77: {  	_ =	shalt  }
0x78: {  	_ =	shalt  }
0x79: {  	_ =	shalt  }
0x7a: {  	_ =	shalt  }
0x7b: {  	_ =	shalt  }
0x7c: {  	_ =	shalt  }
0x7d: {  	_ =	shalt  }
0x7e: {  	_ =	shalt  }
0x7f: {  	_ =	shalt  }
0x80: {  	_ =	shalt  }
0x81: {  	_ =	shalt  }
0x82: {  	_ =	shalt  }
0x83: {  	_ =	shalt  }
0x84: {  	_ =	shalt  }
0x85: {  	_ =	shalt  }
0x86: {  	_ =	shalt  }
0x87: {  	_ =	shalt  }
.Lfunc_end0:
.L_simem_size_0:
called_computation_lowered:
.L_overlay_start_0:
0x88: {  	s2 =	sld [smem:$0x3FD9]  }
0x89: {  	s3 =	sld [smem:$0x3FFE];
	_ =	sdelay $0x1  }
0x8a: {  	s1 =	srdreg.scid  }
0x8b: {  	s0 =	sand.u32 $0x1, s1  }
0x8c: {  	s16 =	sshll.u32 s0, $0xA;
	s2 =	sadd.s32 s3, s2  }
0x8d: {  	s2 =	sadd.s32 s2, s16  }
0x8e: {  	[smem:$0x3FC0] =	sst s2  }
0x8f: {  	_ = 	snop  }
0x90: {  	(tm) =	ssettm $0x1  }
0x91: {  	s17 =	sld [smem:$0x3FFB];
	_ =	sdelay $0x3  }
0x92: {  	_ =	strace s17  }
0x93: {  	s2 =	sld [smem:$0x3FFC];
	_ =	sdelay $0x3  }
0x94: {  	_ =	strace s2  }
0x95: {  	s2 =	sld [smem:$0x3FFD];
	_ =	sdelay $0x3  }
0x96: {  	_ =	strace s2  }
0x97: {  	_ =	strace $0x8FFFFFFF  }
0x98: {  	s18 =	sld [smem:$0x3FDB];
	_ =	sdelay $0x1  }
0x99: {  	s19 =	simm.s32 $_scs_section_size  }
0x9a: {  	s4 =	simm.s32 $_size__tile_overlayer_lowered;
	s5 =	simm.s32 $_tile_overlayer_lowered  }
0x9b: {  	s22 =	simm.s32 $0x1BFF;
	s21 =	sshll.u32 s5, $0x1;
	s2 =	sadd.s32 s19, s18  }
0x9c: {  	s6 =	simm.s32 $0x0;
	s20 =	sshll.u32 s4, $0x1;
	s4 =	sadd.s32 s21, s2  }
0x9d: {  	[timem:s6], [sflag:s22] =	dma.local [hbm:s4], s20  }
0x9e: {  	_ =	swait.ge [sflag:s22], s20  }
0x9f: {  	s3 =	ssub.s32 $0x0, s20;
	[sflag:s22] =	ssyncset.done $0x0  }
0xa0: {  	[sflag:s22] =	ssyncadd.s32 s3;
	_ =	sdelay $0x1  }
0xa1: {  	s23 =	simm.s32 $0x1B8B  }
0xa2: {  	_ =	swait.ge [sflag:s23], $0x1  }
0xa3: {  	[sflag:s23] =	ssyncset.done $0x0  }
0xa4: {  	s25 =	simm.s32 $0x1B8E;
	s24 =	sld [smem:$0x3FFE];
	[sflag:s23] =	ssyncadd.s32 $0xFFFFFFFF  }
0xa5: {  	s26 =	simm.s32 $execute0_lowered;
	[smem:$0x3FD2] =	sst s25  }
0xa6: {  	s4 =	sshll.u32 s26, $0x1;
	_ =	strace $0x80000046;
	[dreg:$0x1] =	wrdreg $0xFFFFFFFF  }
0xa7: {  	s28 =	simm.s32 $_size_execute0_lowered;
	s2 =	sadd.s32 s2, s4;
	[dreg:$0x0] =	wrdreg $0x0  }
0xa8: {  	s4 =	sshll.u32 s28, $0x1;
	[dreg:$0x2] =	wrdreg s2  }
0xa9: {  	[dreg:$0x3] =	wrdreg s4  }
0xaa: {  	[dreg:$0x4] =	wrdreg $0xC0  }
0xab: {  	_ =	task [dreg:s6], $0x5FFFF  }
0xac: {  	[dreg:$0x1] =	wrdreg $0xFFFFFFFF  }
0xad: {  	[dreg:$0x0] =	wrdreg $0x60  }
0xae: {  	[dreg:$0x2] =	wrdreg s24  }
0xaf: {  	[dreg:$0x3] =	wrdreg $0x68000  }
0xb0: {  	[dreg:$0x4] =	wrdreg $0x9  }
0xb1: {  	_ =	task.clear_ibuf [dreg:s6], $0x5FFFF;
	_ =	strace $0x90000046  }
0xb2: {  	s29 =	simm.s32 $0x9;
	_ =	strace $0x80000048  }
0xb3: {  	_ =	swait.ge [sflag:s29], $0x1  }
0xb4: {  	[sflag:s29] =	ssyncadd.s32 $0xFFFFFFFF  }
0xb5: {  	_ =	strace $0x90000048  }
0xb6: {  	_ =	sfence  }
0xb7: {  	s30 =	sld [smem:$0x0];
	_ =	sdelay $0x2  }
0xb8: {  	s31 =	sshll.u32 s1, $0xD;
	s1 =	sshrl.u32 s1, $0x2  }
0xb9: {  	s3 =	sand.u32 $0x4000, s31;
	s1 =	sadd.s32 s1, s30  }
0xba: {  	s0 =	sor.u32 s3, s0;
	s1 =	sshll.u32 s1, $0x11  }
0xbb: {  	s0 =	sor.u32 s1, s0  }
0xbc: {  	s0 =	sadd.s32 $0x8F2B, s0  }
0xbd: {  	[sflag:s0] =	ssyncadd.remote.s32 $0x1  }
0xbe: {  	_ =	sfence.sel $0xFFFF  }
0xbf: {  	[dreg:$0x0] =	wrdreg $0xFFFFFFFF;
	(pc) =	sbr.abs _section_cstart, $3  }
0xc0: {  	[dreg:$0x1] =	wrdreg $0xFFFFFFFF  }
0xc1: {  	_ =	task.clear_ibuf [dreg:s6], $0x2FFFF;
	_ =	strace $0x9FFFFFFF  }
0xc2: {  	(tm) =	ssettm $0x7FFFFFFF  }
0xc3: {  	_ =	shalt  }
tec
execute0_lowered:
.L_overlay_start_1:
0x0: {  	(tag) =	ssettag $0x1  }
0x1: {  	s7 =	rddreg [dreg:$0x0]  }
0x2: {  	s0 =	srdreg.scid;
	s2 =	rddreg [dreg:$0x1];
	s3 =	simm.s32 $0x0  }
0x3: {  	s16 =	simm.s32 $0x2800;
	s6 =	sand.u32 $0x1, s0;
	s0 =	stileid.u32  }
0x4: {  	s17 =	simm.s32 $0x80;
	s18 =	simm.s32 $0x0;
	s8 =	smul.u32 $0x2800, s0  }
0x5: {  	[smem:$0x7FF] =	sst s3;
	s5 =	sadd.s32 $0xAC00, s7;
	s9 =	smul.u32 $0x28000, s6  }
0x6: {  	s1 =	sshll.u32 s6, $0x4;
	s11 =	smul.u32 $0x50000, s0;
	s6 =	ssub.s32 $0x2, s6  }
0x7: {  	s31 =	sshll.u32 s0, $0x6;
	s1 =	sor.u32 s0, s1;
	s30 =	sshrl.u32 s6, $0x1  }
0x8: {  	s4 =	smul.u32 $0x500, s1;
	s1 =	rddreg [dreg:$0x2];
	_ =	strace $0x80000047  }
0x9: {  	s8 =	sadd.s32 s8, s9;
	s29 =	sshrl.u32 s11, $0x2;
	s9 =	ssub.s32 s6, s30  }
0xa: {  	s6 =	sor.u32 $0x1C01, s31;
	s8 =	sadd.s32 s8, s7;
	s11 =	sadd.s32 s29, s2  }
0xb: {  	s9 =	smax.u32 s9, $0x1;
	s10 =	sadd.s32 s4, s7;
	s4 =	sadd.s32 $0xB400, s7  }
0xc: {  	s12 =	sadd.s32 $0x4000, s11;
	s13 =	sadd.s32 $0x8000, s11;
	s14 =	sadd.s32 $0xC000, s11  }
0xd: {  	s15 =	sadd.s32 $0x10000, s11;
	s8 =	sadd.s32 $0xBC00, s8;
	s7 =	sadd.s32 $0xC00, s10  }
0xe: {  	s10 =	sshrl.u32 s11, $0x3;
	s11 =	simm.s32 $0x1;
	s12 =	sshrl.u32 s12, $0x3  }
0xf: {  	s13 =	sshrl.u32 s13, $0x3;
	s14 =	sshrl.u32 s14, $0x3;
	s15 =	sshrl.u32 s15, $0x3  }
.LBB2_1:
0x10: {  	[spmem:s10], [sflag:s6] =	dma.local [hbm:s5], $0x800  }
0x11: {  	_ =	swait.ge [sflag:s11], $0x800  }
0x12: {  	[sflag:s11] =	ssyncset.done $0x0  }
0x13: {  	[sflag:s11] =	ssyncadd.s32 $0xFFFFF800  }
0x14: {  	[spmem:s12], [sflag:s6] =	dma.local [hbm:s5], $0x800  }
0x15: {  	_ =	swait.ge [sflag:s11], $0x800  }
0x16: {  	[sflag:s11] =	ssyncset.done $0x0  }
0x17: {  	[sflag:s11] =	ssyncadd.s32 $0xFFFFF800  }
0x18: {  	[spmem:s13], [sflag:s6] =	dma.local [hbm:s5], $0x800  }
0x19: {  	_ =	swait.ge [sflag:s11], $0x800  }
0x1a: {  	[sflag:s11] =	ssyncset.done $0x0  }
0x1b: {  	[sflag:s11] =	ssyncadd.s32 $0xFFFFF800  }
0x1c: {  	[spmem:s14], [sflag:s6] =	dma.local [hbm:s5], $0x800  }
0x1d: {  	_ =	swait.ge [sflag:s11], $0x800  }
0x1e: {  	[sflag:s11] =	ssyncset.done $0x0  }
0x1f: {  	[sflag:s11] =	ssyncadd.s32 $0xFFFFF800  }
0x20: {  	[spmem:s15], [sflag:s6] =	dma.local [hbm:s5], $0x800  }
0x21: {  	_ =	swait.ge [sflag:s11], $0x800  }
0x22: {  	[sflag:s11] =	ssyncset.done $0x0  }
0x23: {  	[sflag:s11] =	ssyncadd.s32 $0xFFFFF800  }
0x24: {  	[tilespmem:s3], [sflag:$0x1] =	stream.linear.gather [hbm4b:s7+s3], $0x2800, $0x38;
	[tilespmem:$0x1A800] =	vst v63  }
0x25: {  	_ =	swait.ge [sflag:s11], $0x2800  }
0x26: {  	[sflag:s11] =	ssyncset.done $0x0  }
0x27: {  	[sflag:s11] =	ssyncadd.s32 $0xFFFFD800  }
0x28: {  	[tilespmem:s16], [sflag:$0x1] =	stream.linear.gather [hbm4b:s4+s3], $0x4000, $0x38;
	[tilespmem:$0x1A800] =	vst v63  }
0x29: {  	_ =	swait.ge [sflag:s11], $0x4000  }
0x2a: {  	[sflag:s11] =	ssyncset.done $0x0  }
0x2b: {  	[sflag:s11] =	ssyncadd.s32 $0xFFFFC000  }
0x2c: {  	s19 =	simm.s32 $0x0;
	[bflag:$0x0] =	sbarrier.arrive $0xFFFF  }
0x2d: {  	[spmem:s2] =	stream.indirect.scatter.add.f32 [tilespmem:s16], [sflag:$0x1], $0x80, s19, s17, $0xb8;
	[tilespmem:$0x1A800] =	vst v63  }
0x2e: {  	_ =	swait.ge [sflag:s11], $0x4000  }
0x2f: {  	s19 =	simm.s32 $0x200;
	[sflag:s11] =	ssyncset.done $0x0  }
.LBB2_2:
0x30: {  	s20 =	sshra.s32 s19, $0x2;
	[sflag:s11] =	ssyncadd.s32 $0xFFFFC000;
	p0 =	sne.s32 s19, $0x9E00  }
0x31: {  	[spmem:s2] =	stream.indirect.scatter.add.f32 [tilespmem:s16], [sflag:$0x1], $0x80, s20, s17, $0xb8;
	[tilespmem:$0x1A800] =	vst v63  }
.Ltmp0:
0x32: {  	_ = 	snop;
	(pc) =	sbr.rel @p0 .LBB2_2-.Ltmp0, $4  }
0x33: {  	_ = 	snop  }
0x34: {  	s19 =	sadd.s32 $0x200, s19  }
0x35: {  	_ =	swait.ge [sflag:s11], $0x4000  }
0x36: {  	[sflag:s11] =	ssyncset.done $0x0  }
0x37: {  	s18 =	sadd.s32 $0x1, s18  }
0x38: {  	[sflag:s11] =	ssyncadd.s32 $0xFFFFC000;
	p0 =	sne.s32 s18, s9  }
.Ltmp1:
0x39: {  	[bflag:$0x0] =	sbarrier.arrive $0xFFFF;
	(pc) =	sbr.rel @p0 .LBB2_1-.Ltmp1, $4  }
0x3a: {  	[hbm:s8], [sflag:s6] =	dma.local [spmem:s10], $0x2800  }
0x3b: {  	_ =	swait.ge [sflag:s11], $0x2800  }
0x3c: {  	[sflag:s11] =	ssyncset.done $0x0  }
0x3d: {  	[sflag:s11] =	ssyncadd.s32 $0xFFFFD800  }
0x3e: {  	_ =	sfence.sel $0x180000  }
0x3f: {  	[bflag:$0x0] =	sbarrier.arrive $0xFFFF  }
0x40: {  	p0 =	sne.s32 s0, $0x0;
	_ =	strace $0x90000047  }
0x41: {  	s0 =	sadd.s32 @!p0 $0x100000, s1;
	[bflag:$0x2] =	sbarrier.arrive $0xFFFF  }
0x42: {  	[sflag:s0] =	ssyncadd.tile.s32 @!p0 $0x1;
	_ =	shalt  }
.Lfunc_end2:
_tile_overlayer_lowered:
.L_overlay_start_2:
0x43: {  	(tag) =	ssettag $0x2  }
0x44: {  	s0 =	rddreg [dreg:$0x0];
	s2 =	stileid.u32  }
0x45: {  	s1 =	rddreg [dreg:$0x1];
	p0 =	sne.s32 s2, $0x0  }
0x46: {  	s3 =	rddreg [dreg:$0x2];
	[bflag:$0x3] =	sbarrier.arrive $0xFFFF;
	s2 =	simm.s32 @!p0 $0x1C01  }
0x47: {  	[timem:s3], [sflag:s2] =	dma.local @!p0 [hbm:s0], s1  }
0x48: {  	s0 =	simm.s32 @!p0 $0x1  }
0x49: {  	_ =	swait.ge @!p0 [sflag:s0], s1  }
0x4a: {  	s1 =	ssub.s32 @!p0 $0x0, s1;
	[sflag:s0] =	ssyncset.done @!p0 $0x0  }
0x4b: {  	[sflag:s0] =	ssyncadd.s32 @!p0 s1  }
0x4c: {  	[bflag:$0x3] =	sbarrier.arrive $0xFFFF  }
0x4d: {  	_ =	shalt  }

</sc_bundles>
